<compile_context>
chip_gen: v7x
topology: tpu7x:2x2x1
jax: 0.10.2.dev20260603
libtpu: 0.0.44.dev20260713+nightly
codegen_flags: <defaults>
</compile_context>

<pallas_src>
import functools

import jax
import jax.numpy as jnp
from jax import lax
from jax.experimental import pallas as pl
from jax.experimental.pallas import tpu as pltpu
from jax.experimental.pallas import tpu_sc as plsc

_C = 80
_ALPHA = 0.25

_B = 8
_M = 16384
_N = _B * _M
_NW = 32
_RW = _N // _NW
_MC = 8192



def _softplus(x):
    return jnp.maximum(x, 0.0) + jnp.log1p(jnp.exp(-jnp.abs(x)))


def _tc_body(x_ref, t_ref, out_ref, acc_ref):
    b = pl.program_id(0)
    m = pl.program_id(1)

    @pl.when((b == 0) & (m == 0))
    def _init():
        acc_ref[...] = jnp.zeros_like(acc_ref)

    x = x_ref[...].reshape(_C, _MC)
    t = t_ref[...].reshape(1, _MC)

    k = 1.4426950408889634
    ln2 = 0.6931471805599453
    t1 = k * x
    at = jnp.abs(t1)
    u = jnp.exp2(-at)
    ll = jnp.log2(1.0 + u)
    mk = jnp.maximum(t1, 0.0)
    mn = at - mk
    s = mk + ll
    w = jnp.exp2(-2.0 * (mn + ll))
    z = jnp.exp2(-2.0 * s)
    fl0 = ((1.0 - _ALPHA) * ln2) * s * w
    fl1 = (_ALPHA * ln2) * (s - t1) * z
    row = jax.lax.broadcasted_iota(jnp.int32, x.shape, 0)
    fl = jnp.where(row == t, fl1, fl0)
    acc_ref[...] += jnp.sum(fl.reshape(_C // 8, 8, _MC), axis=0)

    @pl.when((b == _B - 1) & (m == (_M // _MC) - 1))
    def _fin():
        out_ref[...] = jnp.sum(
            acc_ref[...].reshape(8, _MC // 128, 128), axis=1)


def _tc_cls_sum(cls3, t3):
    return pl.pallas_call(
        _tc_body,
        grid=(_B, _M // _MC),
        in_specs=[
            pl.BlockSpec((1, _C, _MC), lambda b, m: (b, 0, m)),
            pl.BlockSpec((_MC,), lambda b, m: (b * (_M // _MC) + m,)),
        ],
        out_specs=pl.BlockSpec((8, 128), lambda b, m: (0, 0)),
        out_shape=jax.ShapeDtypeStruct((8, 128), jnp.float32),
        scratch_shapes=[pltpu.VMEM((8, _MC), jnp.float32)],
    )(cls3, t3)



def _sc_body(t_hbm, pb_hbm, bt_hbm, out_hbm, t_v, pb_v, bt_v, res_v, sem):
    del sem
    wid = lax.axis_index("s") * 2 + lax.axis_index("c")
    base = wid * _RW
    b = wid // (_M // _RW)
    m0 = (wid % (_M // _RW)) * _RW
    z = jnp.zeros((16,), jnp.float32)

    pltpu.sync_copy(t_hbm.at[pl.ds(base, _RW)], t_v)
    pltpu.sync_copy(pb_hbm.at[pl.ds(b * (4 * _M) + m0 * 4, _RW * 4)], pb_v)
    pltpu.sync_copy(bt_hbm.at[pl.ds(base * 4, _RW * 4)], bt_v)

    def _step(j, carry):
        acc_reg, acc_fg = carry
        off = j * 16
        t16 = t_v[pl.ds(off, 16)]
        fg = (t16 >= 0) & (t16 != _C)

        ca = (j >> 3) * 512 + (j & 7) * 16
        b1x0 = pb_v[pl.ds(ca, 16)]
        b1y0 = pb_v[pl.ds(ca + 128, 16)]
        b1x1 = pb_v[pl.ds(ca + 256, 16)]
        b1y1 = pb_v[pl.ds(ca + 384, 16)]
        b2x0 = bt_v[pl.ds(ca, 16)]
        b2y0 = bt_v[pl.ds(ca + 128, 16)]
        b2x1 = bt_v[pl.ds(ca + 256, 16)]
        b2y1 = bt_v[pl.ds(ca + 384, 16)]
        a1 = (b1x1 - b1x0) * (b1y1 - b1y0)
        a2 = (b2x1 - b2x0) * (b2y1 - b2y0)
        iw = jnp.maximum(jnp.minimum(b1x1, b2x1) - jnp.maximum(b1x0, b2x0), 0.0)
        ih = jnp.maximum(jnp.minimum(b1y1, b2y1) - jnp.maximum(b1y0, b2y0), 0.0)
        inter = iw * ih
        union = a1 + a2 - inter
        iou = inter / union
        cw = jnp.maximum(jnp.maximum(b1x1, b2x1) - jnp.minimum(b1x0, b2x0), 0.0)
        ch = jnp.maximum(jnp.maximum(b1y1, b2y1) - jnp.minimum(b1y0, b2y0), 0.0)
        areac = cw * ch
        giou = iou - (areac - union) / areac

        one = jnp.full((16,), 1.0, jnp.float32)
        acc_reg = acc_reg + jnp.where(fg, 1.0 - giou, z)
        acc_fg = acc_fg + jnp.where(fg, one, z)
        return acc_reg, acc_fg

    acc_reg, acc_fg = lax.fori_loop(0, _RW // 16, _step, (z, z), unroll=2)

    res_v[0, :] = acc_reg
    res_v[1, :] = acc_fg
    for rr in range(2, 8):
        res_v[rr, :] = z
    pltpu.sync_copy(res_v, out_hbm.at[wid])


def _sc_partials(t_flat, pb_flat, bt_flat):
    mesh = plsc.VectorSubcoreMesh(core_axis_name="c", subcore_axis_name="s")
    f = functools.partial(
        pl.kernel,
        out_type=jax.ShapeDtypeStruct((_NW, 8, 16), jnp.float32),
        mesh=mesh,
        compiler_params=pltpu.CompilerParams(needs_layout_passes=False),
        scratch_types=[
            pltpu.VMEM((_RW,), jnp.int32),
            pltpu.VMEM((_RW * 4,), jnp.float32),
            pltpu.VMEM((_RW * 4,), jnp.float32),
            pltpu.VMEM((8, 16), jnp.float32),
            pltpu.SemaphoreType.DMA,
        ],
    )(_sc_body)
    return f(t_flat, pb_flat, bt_flat)


def kernel(pred_cls, pred_box, mask, cls_targets, box_targets):
    del mask
    t1 = cls_targets.reshape(-1).astype(jnp.int32)
    cls3 = pred_cls.transpose(0, 2, 1)
    pbf = (pred_box.reshape(_B, _M // 128, 128, 4)
           .transpose(0, 1, 3, 2).reshape(-1))
    btf = (box_targets.reshape(_N // 128, 128, 4)
           .transpose(0, 2, 1).reshape(-1))
    base = _tc_cls_sum(cls3, t1)
    sc = _sc_partials(t1, pbf, btf)
    cls_sum = base.sum()
    reg_sum = sc[:, 0, :].sum()
    num_fg = jnp.maximum(sc[:, 1, :].sum(), 1.0)
    return (cls_sum / num_fg, reg_sum / num_fg)

# --- scband reference (transcript-rebuilt; emitter-appended) ---
"""Pipeline reference for scband-otacriterion-7352984011368 (READ-ONLY COPY).

The authoritative reference and input builder live on the scoring server;
editing this copy changes nothing except your own understanding.
"""

import jax, jax.numpy as jnp
import numpy as np

NUM_CLASSES = 80
ALPHA = 0.25
GAMMA = 2.0


def _make_boxes(kxy, kwh, shape_prefix):
    xy = jax.random.uniform(kxy, shape_prefix + (2,), dtype=jnp.float32) * 512.0
    wh = jax.random.uniform(kwh, shape_prefix + (2,), dtype=jnp.float32) * 100.0 + 1.0
    return jnp.concatenate([xy, xy + wh], axis=-1)


def setup_inputs(seed: int = 0) -> dict:
    key = jax.random.key(seed)
    ks = jax.random.split(key, 6)
    B, M, C = 8, 16384, NUM_CLASSES
    N = B * M
    pred_cls = jax.random.normal(ks[0], (B, M, C), dtype=jnp.float32)
    pred_box = _make_boxes(ks[1], ks[2], (B, M))
    mask = jnp.zeros((B, M), dtype=bool)  # outputs['mask']: padding mask, all valid
    cls_targets = jax.random.randint(ks[3], (N,), 0, 81)  # values in [0, 80]; 80 == background
    box_targets = _make_boxes(ks[4], ks[5], (N,))
    return {
        'pred_cls': pred_cls,
        'pred_box': pred_box,
        'mask': mask,
        'cls_targets': cls_targets,
        'box_targets': box_targets,
    }


def sigmoid_focal_loss(inputs, targets, alpha, gamma):
    p = jax.nn.sigmoid(inputs)
    # numerically stable BCE with logits (reduction='none')
    ce = jnp.maximum(inputs, 0.0) - inputs * targets + jnp.log1p(jnp.exp(-jnp.abs(inputs)))
    p_t = p * targets + (1.0 - p) * (1.0 - targets)
    loss = ce * ((1.0 - p_t) ** gamma)
    alpha_t = alpha * targets + (1.0 - alpha) * (1.0 - targets)
    return alpha_t * loss


def elementwise_giou(b1, b2):
    # == torch.diag(generalized_box_iou(b1, b2)), same math computed pairwise-on-diagonal
    area1 = (b1[:, 2] - b1[:, 0]) * (b1[:, 3] - b1[:, 1])
    area2 = (b2[:, 2] - b2[:, 0]) * (b2[:, 3] - b2[:, 1])
    lt = jnp.maximum(b1[:, :2], b2[:, :2])
    rb = jnp.minimum(b1[:, 2:], b2[:, 2:])
    wh = jnp.clip(rb - lt, 0.0, None)
    inter = wh[:, 0] * wh[:, 1]
    union = area1 + area2 - inter
    iou = inter / union
    ltc = jnp.minimum(b1[:, :2], b2[:, :2])
    rbc = jnp.maximum(b1[:, 2:], b2[:, 2:])
    whc = jnp.clip(rbc - ltc, 0.0, None)
    areac = whc[:, 0] * whc[:, 1]
    return iou - (areac - union) / areac


def reference(pred_cls, pred_box, mask, cls_targets, box_targets):
    C = NUM_CLASSES
    cls_preds = pred_cls.reshape(-1, C)
    box_preds = pred_box.reshape(-1, 4)
    masks = jnp.logical_not(mask).reshape(-1)  # mask = ~outputs['mask']
    cls_t = cls_targets.reshape(-1)
    box_t = box_targets.reshape(-1, 4)

    foreground_idxs = (cls_t >= 0) & (cls_t != C)
    num_foreground = jnp.maximum(foreground_idxs.sum().astype(jnp.float32), 1.0)

    # cls_targets_one_hot: zeros everywhere except foreground rows at their target class
    one_hot = jnp.where(foreground_idxs[:, None],
                        jax.nn.one_hot(cls_t, C, dtype=cls_preds.dtype), 0.0)

    valid_idxs = (cls_t >= 0) & masks

    # loss_labels: focal loss summed over valid rows (masked-sum == index-then-sum)
    fl = sigmoid_focal_loss(cls_preds, one_hot, ALPHA, GAMMA)
    loss_cls = jnp.where(valid_idxs[:, None], fl, 0.0).sum() / num_foreground

    # loss_bboxes: 1 - diag(giou) summed over foreground rows
    giou = elementwise_giou(box_preds, box_t)
    loss_reg = jnp.where(foreground_idxs, 1.0 - giou, 0.0).sum() / num_foreground

    return (loss_cls, loss_reg)

if __name__ == "__main__":
    import jax
    _d = setup_inputs()
    print(jax.jit(kernel)(*tuple(_d.values())))

</pallas_src>

<mosaic_0001>
#map = affine_map<(d0, d1) -> (0)>
#map1 = affine_map<(d0, d1) -> (0, 0, 0)>
module attributes {stable_mosaic.version = 14 : i64} {
  func.func @_sc_body(%arg0: i32, %arg1: i32, %arg2: memref<131072xi32, #tpu.memory_space<hbm>>, %arg3: memref<524288xf32, #tpu.memory_space<hbm>>, %arg4: memref<524288xf32, #tpu.memory_space<hbm>>, %arg5: memref<32x8x16xf32, #tpu.memory_space<hbm>>, %arg6: memref<4096xi32, #tpu.memory_space<vmem>>, %arg7: memref<16384xf32, #tpu.memory_space<vmem>>, %arg8: memref<16384xf32, #tpu.memory_space<vmem>>, %arg9: memref<8x16xf32, #tpu.memory_space<vmem>>, %arg10: memref<!tpu.dma_semaphore, #tpu.memory_space<semaphore_mem>>) attributes {dimension_semantics = [#tpu.dimension_semantics<core_parallel>, #tpu.dimension_semantics<subcore_parallel>], iteration_bounds = array<i64: 2, 16>, scalar_prefetch = 0 : i64, scratch_operands = 5 : i64, tpu.core_type = #tpu.core_type<sc_vector_subcore>, window_params = [{transform_indices = #map}, {transform_indices = #map}, {transform_indices = #map}, {transform_indices = #map1}]} {
    %mul3A = arith.constant 2 : i32
    %mul3A_0 = arith.muli %arg1, %mul3A : i32
    %add3A = arith.addi %mul3A_0, %arg0 : i32
    %mul3A_1 = arith.constant 4096 : i32
    %mul3A_2 = arith.muli %add3A, %mul3A_1 : i32
    %jit3A = arith.constant 4 : i32
    %div3A = arith.divsi %add3A, %jit3A : i32
    %sign3A = arith.constant 0 : i32
    %sign3A_3 = arith.cmpi sgt, %add3A, %sign3A : i32
    %sign3A_4 = arith.extui %sign3A_3 : i1 to i32
    %sign3A_5 = arith.constant 0 : i32
    %sign3A_6 = arith.cmpi slt, %add3A, %sign3A_5 : i32
    %sign3A_7 = arith.extui %sign3A_6 : i1 to i32
    %sign3A_8 = arith.subi %sign3A_4, %sign3A_7 : i32
    %sign3A_9 = arith.constant 0 : i32
    %sign3A_10 = arith.cmpi sgt, %jit3A, %sign3A_9 : i32
    %sign3A_11 = arith.extui %sign3A_10 : i1 to i32
    %sign3A_12 = arith.constant 0 : i32
    %sign3A_13 = arith.cmpi slt, %jit3A, %sign3A_12 : i32
    %sign3A_14 = arith.extui %sign3A_13 : i1 to i32
    %sign3A_15 = arith.subi %sign3A_11, %sign3A_14 : i32
    %ne3A = arith.cmpi ne, %sign3A_8, %sign3A_15 : i32
    %rem3A = arith.remsi %add3A, %jit3A : i32
    %ne3A_16 = arith.constant 0 : i32
    %ne3A_17 = arith.cmpi ne, %rem3A, %ne3A_16 : i32
    %and3A = arith.andi %ne3A, %ne3A_17 : i1
    %sub3A = arith.constant 1 : i32
    %sub3A_18 = arith.subi %div3A, %sub3A : i32
    %select_n3A = arith.select %and3A, %sub3A_18, %div3A : i32
    %jit3A_19 = arith.constant 4 : i32
    %eq3A = arith.constant 0 : i32
    %eq3A_20 = arith.cmpi eq, %jit3A_19, %eq3A : i32
    %jit3A_21 = arith.constant 1 : i32
    %select_n3A_22 = arith.select %eq3A_20, %jit3A_21, %jit3A_19 : i32
    %rem3A_23 = arith.remsi %add3A, %select_n3A_22 : i32
    %ne3A_24 = arith.constant 0 : i32
    %ne3A_25 = arith.cmpi ne, %rem3A_23, %ne3A_24 : i32
    %lt3A = arith.constant 0 : i32
    %lt3A_26 = arith.cmpi slt, %rem3A_23, %lt3A : i32
    %lt3A_27 = arith.constant 0 : i32
    %lt3A_28 = arith.cmpi slt, %select_n3A_22, %lt3A_27 : i32
    %ne3A_29 = arith.xori %lt3A_26, %lt3A_28 : i1
    %and3A_30 = arith.andi %ne3A_29, %ne3A_25 : i1
    %add3A_31 = arith.addi %rem3A_23, %select_n3A_22 : i32
    %select_n3A_32 = arith.select %and3A_30, %add3A_31, %rem3A_23 : i32
    %mul3A_33 = arith.constant 4096 : i32
    %mul3A_34 = arith.muli %select_n3A_32, %mul3A_33 : i32
    %broadcast_in_dim3A = arith.constant 0.000000e+00 : f32
    %broadcast_in_dim3A_35 = vector.broadcast %broadcast_in_dim3A : f32 to vector<16xf32>
    "tpu.region"() ({
      %run_scoped3A = tpu.sem_alloc : memref<!tpu.dma_semaphore, #tpu.memory_space<semaphore_mem>>
      %dma_start3A = tpu.memref_slice %arg2[%mul3A_2] : memref<131072xi32, #tpu.memory_space<hbm>> -> memref<4096xi32, #tpu.memory_space<hbm>>
      %dma_start3A_79 = tpu.memref_slice %arg2[%mul3A_2] : memref<131072xi32, #tpu.memory_space<hbm>> -> memref<4096xi32, #tpu.memory_space<hbm>>
      tpu.enqueue_dma source(%dma_start3A_79 : memref<4096xi32, #tpu.memory_space<hbm>>) target(%arg6 : memref<4096xi32, #tpu.memory_space<vmem>>) target_semaphore(%run_scoped3A : memref<!tpu.dma_semaphore, #tpu.memory_space<semaphore_mem>>)
      %dma_wait3A = tpu.memref_slice %arg2[%mul3A_2] : memref<131072xi32, #tpu.memory_space<hbm>> -> memref<4096xi32, #tpu.memory_space<hbm>>
      %dma_wait3A_80 = tpu.memref_slice %arg2[%mul3A_2] : memref<131072xi32, #tpu.memory_space<hbm>> -> memref<4096xi32, #tpu.memory_space<hbm>>
      tpu.wait_dma2 semaphore(%run_scoped3A : memref<!tpu.dma_semaphore, #tpu.memory_space<semaphore_mem>>) src(%dma_wait3A_80 : memref<4096xi32, #tpu.memory_space<hbm>>) dst(%arg6 : memref<4096xi32, #tpu.memory_space<vmem>>)
      tpu.yield
    }) : () -> ()
    %mul3A_36 = arith.constant 65536 : i32
    %mul3A_37 = arith.muli %select_n3A, %mul3A_36 : i32
    %mul3A_38 = arith.constant 4 : i32
    %mul3A_39 = arith.muli %mul3A_34, %mul3A_38 : i32
    %add3A_40 = arith.addi %mul3A_37, %mul3A_39 : i32
    "tpu.region"() ({
      %run_scoped3A = tpu.sem_alloc : memref<!tpu.dma_semaphore, #tpu.memory_space<semaphore_mem>>
      %dma_start3A = tpu.memref_slice %arg3[%add3A_40] : memref<524288xf32, #tpu.memory_space<hbm>> -> memref<16384xf32, #tpu.memory_space<hbm>>
      %dma_start3A_79 = tpu.memref_slice %arg3[%add3A_40] : memref<524288xf32, #tpu.memory_space<hbm>> -> memref<16384xf32, #tpu.memory_space<hbm>>
      tpu.enqueue_dma source(%dma_start3A_79 : memref<16384xf32, #tpu.memory_space<hbm>>) target(%arg7 : memref<16384xf32, #tpu.memory_space<vmem>>) target_semaphore(%run_scoped3A : memref<!tpu.dma_semaphore, #tpu.memory_space<semaphore_mem>>)
      %dma_wait3A = tpu.memref_slice %arg3[%add3A_40] : memref<524288xf32, #tpu.memory_space<hbm>> -> memref<16384xf32, #tpu.memory_space<hbm>>
      %dma_wait3A_80 = tpu.memref_slice %arg3[%add3A_40] : memref<524288xf32, #tpu.memory_space<hbm>> -> memref<16384xf32, #tpu.memory_space<hbm>>
      tpu.wait_dma2 semaphore(%run_scoped3A : memref<!tpu.dma_semaphore, #tpu.memory_space<semaphore_mem>>) src(%dma_wait3A_80 : memref<16384xf32, #tpu.memory_space<hbm>>) dst(%arg7 : memref<16384xf32, #tpu.memory_space<vmem>>)
      tpu.yield
    }) : () -> ()
    %mul3A_41 = arith.constant 4 : i32
    %mul3A_42 = arith.muli %mul3A_2, %mul3A_41 : i32
    "tpu.region"() ({
      %run_scoped3A = tpu.sem_alloc : memref<!tpu.dma_semaphore, #tpu.memory_space<semaphore_mem>>
      %dma_start3A = tpu.memref_slice %arg4[%mul3A_42] : memref<524288xf32, #tpu.memory_space<hbm>> -> memref<16384xf32, #tpu.memory_space<hbm>>
      %dma_start3A_79 = tpu.memref_slice %arg4[%mul3A_42] : memref<524288xf32, #tpu.memory_space<hbm>> -> memref<16384xf32, #tpu.memory_space<hbm>>
      tpu.enqueue_dma source(%dma_start3A_79 : memref<16384xf32, #tpu.memory_space<hbm>>) target(%arg8 : memref<16384xf32, #tpu.memory_space<vmem>>) target_semaphore(%run_scoped3A : memref<!tpu.dma_semaphore, #tpu.memory_space<semaphore_mem>>)
      %dma_wait3A = tpu.memref_slice %arg4[%mul3A_42] : memref<524288xf32, #tpu.memory_space<hbm>> -> memref<16384xf32, #tpu.memory_space<hbm>>
      %dma_wait3A_80 = tpu.memref_slice %arg4[%mul3A_42] : memref<524288xf32, #tpu.memory_space<hbm>> -> memref<16384xf32, #tpu.memory_space<hbm>>
      tpu.wait_dma2 semaphore(%run_scoped3A : memref<!tpu.dma_semaphore, #tpu.memory_space<semaphore_mem>>) src(%dma_wait3A_80 : memref<16384xf32, #tpu.memory_space<hbm>>) dst(%arg8 : memref<16384xf32, #tpu.memory_space<vmem>>)
      tpu.yield
    }) : () -> ()
    %scan3A = arith.constant 0 : i32
    %scan3A_43 = arith.constant 256 : i32
    %scan3A_44 = arith.addi %scan3A, %scan3A_43 : i32
    %scan3A_45 = arith.constant 2 : i32
    %scan3A_46:2 = scf.for %scan3A_79 = %scan3A to %scan3A_44 step %scan3A_45 iter_args(%scan3A_80 = %broadcast_in_dim3A_35, %scan3A_81 = %broadcast_in_dim3A_35) -> (vector<16xf32>, vector<16xf32>)  : i32 {
      %mul3A_82 = arith.constant 16 : i32
      %mul3A_83 = arith.muli %scan3A_79, %mul3A_82 : i32
      %get3A = arith.index_cast %mul3A_83 : i32 to index
      %get3A_84 = tpu.vector_load %arg6[%get3A] {strides = array<i32>} : memref<4096xi32, #tpu.memory_space<vmem>>, vector<16xi32>,
      %ge3A = arith.constant 0 : i32
      %ge3A_85 = vector.broadcast %ge3A : i32 to vector<16xi32>
      %ge3A_86 = arith.cmpi sge, %get3A_84, %ge3A_85 : vector<16xi32>
      %ne3A_87 = arith.constant 80 : i32
      %ne3A_88 = vector.broadcast %ne3A_87 : i32 to vector<16xi32>
      %ne3A_89 = arith.cmpi ne, %get3A_84, %ne3A_88 : vector<16xi32>
      %and3A_90 = arith.andi %ge3A_86, %ne3A_89 : vector<16xi1>
      %shift_right_arithmetic3A = arith.constant 3 : i32
      %shift_right_arithmetic3A_91 = arith.shrsi %scan3A_79, %shift_right_arithmetic3A : i32
      %mul3A_92 = arith.constant 512 : i32
      %mul3A_93 = arith.muli %shift_right_arithmetic3A_91, %mul3A_92 : i32
      %and3A_94 = arith.constant 7 : i32
      %and3A_95 = arith.andi %scan3A_79, %and3A_94 : i32
      %mul3A_96 = arith.constant 16 : i32
      %mul3A_97 = arith.muli %and3A_95, %mul3A_96 : i32
      %add3A_98 = arith.addi %mul3A_93, %mul3A_97 : i32
      %get3A_99 = arith.index_cast %add3A_98 : i32 to index
      %get3A_100 = tpu.vector_load %arg7[%get3A_99] {strides = array<i32>} : memref<16384xf32, #tpu.memory_space<vmem>>, vector<16xf32>,
      %add3A_101 = arith.constant 128 : i32
      %add3A_102 = arith.addi %add3A_98, %add3A_101 : i32
      %get3A_103 = arith.index_cast %add3A_102 : i32 to index
      %get3A_104 = tpu.vector_load %arg7[%get3A_103] {strides = array<i32>} : memref<16384xf32, #tpu.memory_space<vmem>>, vector<16xf32>,
      %add3A_105 = arith.constant 256 : i32
      %add3A_106 = arith.addi %add3A_98, %add3A_105 : i32
      %get3A_107 = arith.index_cast %add3A_106 : i32 to index
      %get3A_108 = tpu.vector_load %arg7[%get3A_107] {strides = array<i32>} : memref<16384xf32, #tpu.memory_space<vmem>>, vector<16xf32>,
      %add3A_109 = arith.constant 384 : i32
      %add3A_110 = arith.addi %add3A_98, %add3A_109 : i32
      %get3A_111 = arith.index_cast %add3A_110 : i32 to index
      %get3A_112 = tpu.vector_load %arg7[%get3A_111] {strides = array<i32>} : memref<16384xf32, #tpu.memory_space<vmem>>, vector<16xf32>,
      %get3A_113 = arith.index_cast %add3A_98 : i32 to index
      %get3A_114 = tpu.vector_load %arg8[%get3A_113] {strides = array<i32>} : memref<16384xf32, #tpu.memory_space<vmem>>, vector<16xf32>,
      %add3A_115 = arith.constant 128 : i32
      %add3A_116 = arith.addi %add3A_98, %add3A_115 : i32
      %get3A_117 = arith.index_cast %add3A_116 : i32 to index
      %get3A_118 = tpu.vector_load %arg8[%get3A_117] {strides = array<i32>} : memref<16384xf32, #tpu.memory_space<vmem>>, vector<16xf32>,
      %add3A_119 = arith.constant 256 : i32
      %add3A_120 = arith.addi %add3A_98, %add3A_119 : i32
      %get3A_121 = arith.index_cast %add3A_120 : i32 to index
      %get3A_122 = tpu.vector_load %arg8[%get3A_121] {strides = array<i32>} : memref<16384xf32, #tpu.memory_space<vmem>>, vector<16xf32>,
      %add3A_123 = arith.constant 384 : i32
      %add3A_124 = arith.addi %add3A_98, %add3A_123 : i32
      %get3A_125 = arith.index_cast %add3A_124 : i32 to index
      %get3A_126 = tpu.vector_load %arg8[%get3A_125] {strides = array<i32>} : memref<16384xf32, #tpu.memory_space<vmem>>, vector<16xf32>,
      %sub3A_127 = arith.subf %get3A_108, %get3A_100 : vector<16xf32>
      %sub3A_128 = arith.subf %get3A_112, %get3A_104 : vector<16xf32>
      %mul3A_129 = arith.mulf %sub3A_127, %sub3A_128 : vector<16xf32>
      %sub3A_130 = arith.subf %get3A_122, %get3A_114 : vector<16xf32>
      %sub3A_131 = arith.subf %get3A_126, %get3A_118 : vector<16xf32>
      %mul3A_132 = arith.mulf %sub3A_130, %sub3A_131 : vector<16xf32>
      %min3A = arith.minimumf %get3A_108, %get3A_122 : vector<16xf32>
      %max3A = arith.maximumf %get3A_100, %get3A_114 : vector<16xf32>
      %sub3A_133 = arith.subf %min3A, %max3A : vector<16xf32>
      %max3A_134 = arith.constant 0.000000e+00 : f32
      %max3A_135 = vector.broadcast %max3A_134 : f32 to vector<16xf32>
      %max3A_136 = arith.maximumf %sub3A_133, %max3A_135 : vector<16xf32>
      %min3A_137 = arith.minimumf %get3A_112, %get3A_126 : vector<16xf32>
      %max3A_138 = arith.maximumf %get3A_104, %get3A_118 : vector<16xf32>
      %sub3A_139 = arith.subf %min3A_137, %max3A_138 : vector<16xf32>
      %max3A_140 = arith.constant 0.000000e+00 : f32
      %max3A_141 = vector.broadcast %max3A_140 : f32 to vector<16xf32>
      %max3A_142 = arith.maximumf %sub3A_139, %max3A_141 : vector<16xf32>
      %mul3A_143 = arith.mulf %max3A_136, %max3A_142 : vector<16xf32>
      %add3A_144 = arith.addf %mul3A_129, %mul3A_132 : vector<16xf32>
      %sub3A_145 = arith.subf %add3A_144, %mul3A_143 : vector<16xf32>
      %div3A_146 = arith.divf %mul3A_143, %sub3A_145 : vector<16xf32>
      %max3A_147 = arith.maximumf %get3A_108, %get3A_122 : vector<16xf32>
      %min3A_148 = arith.minimumf %get3A_100, %get3A_114 : vector<16xf32>
      %sub3A_149 = arith.subf %max3A_147, %min3A_148 : vector<16xf32>
      %max3A_150 = arith.constant 0.000000e+00 : f32
      %max3A_151 = vector.broadcast %max3A_150 : f32 to vector<16xf32>
      %max3A_152 = arith.maximumf %sub3A_149, %max3A_151 : vector<16xf32>
      %max3A_153 = arith.maximumf %get3A_112, %get3A_126 : vector<16xf32>
      %min3A_154 = arith.minimumf %get3A_104, %get3A_118 : vector<16xf32>
      %sub3A_155 = arith.subf %max3A_153, %min3A_154 : vector<16xf32>
      %max3A_156 = arith.constant 0.000000e+00 : f32
      %max3A_157 = vector.broadcast %max3A_156 : f32 to vector<16xf32>
      %max3A_158 = arith.maximumf %sub3A_155, %max3A_157 : vector<16xf32>
      %mul3A_159 = arith.mulf %max3A_152, %max3A_158 : vector<16xf32>
      %sub3A_160 = arith.subf %mul3A_159, %sub3A_145 : vector<16xf32>
      %div3A_161 = arith.divf %sub3A_160, %mul3A_159 : vector<16xf32>
      %sub3A_162 = arith.subf %div3A_146, %div3A_161 : vector<16xf32>
      %broadcast_in_dim3A_163 = arith.constant 1.000000e+00 : f32
      %broadcast_in_dim3A_164 = vector.broadcast %broadcast_in_dim3A_163 : f32 to vector<16xf32>
      %sub3A_165 = arith.constant 1.000000e+00 : f32
      %sub3A_166 = vector.broadcast %sub3A_165 : f32 to vector<16xf32>
      %sub3A_167 = arith.subf %sub3A_166, %sub3A_162 : vector<16xf32>
      %select_n3A_168 = arith.select %and3A_90, %sub3A_167, %broadcast_in_dim3A_35 : vector<16xi1>, vector<16xf32>
      %add3A_169 = arith.addf %scan3A_80, %select_n3A_168 : vector<16xf32>
      %select_n3A_170 = arith.select %and3A_90, %broadcast_in_dim3A_164, %broadcast_in_dim3A_35 : vector<16xi1>, vector<16xf32>
      %add3A_171 = arith.addf %scan3A_81, %select_n3A_170 : vector<16xf32>
      %scan3A_172 = arith.constant 1 : i32
      %scan3A_173 = arith.addi %scan3A_79, %scan3A_172 : i32
      %mul3A_174 = arith.constant 16 : i32
      %mul3A_175 = arith.muli %scan3A_173, %mul3A_174 : i32
      %get3A_176 = arith.index_cast %mul3A_175 : i32 to index
      %get3A_177 = tpu.vector_load %arg6[%get3A_176] {strides = array<i32>} : memref<4096xi32, #tpu.memory_space<vmem>>, vector<16xi32>,
      %ge3A_178 = arith.constant 0 : i32
      %ge3A_179 = vector.broadcast %ge3A_178 : i32 to vector<16xi32>
      %ge3A_180 = arith.cmpi sge, %get3A_177, %ge3A_179 : vector<16xi32>
      %ne3A_181 = arith.constant 80 : i32
      %ne3A_182 = vector.broadcast %ne3A_181 : i32 to vector<16xi32>
      %ne3A_183 = arith.cmpi ne, %get3A_177, %ne3A_182 : vector<16xi32>
      %and3A_184 = arith.andi %ge3A_180, %ne3A_183 : vector<16xi1>
      %shift_right_arithmetic3A_185 = arith.constant 3 : i32
      %shift_right_arithmetic3A_186 = arith.shrsi %scan3A_173, %shift_right_arithmetic3A_185 : i32
      %mul3A_187 = arith.constant 512 : i32
      %mul3A_188 = arith.muli %shift_right_arithmetic3A_186, %mul3A_187 : i32
      %and3A_189 = arith.constant 7 : i32
      %and3A_190 = arith.andi %scan3A_173, %and3A_189 : i32
      %mul3A_191 = arith.constant 16 : i32
      %mul3A_192 = arith.muli %and3A_190, %mul3A_191 : i32
      %add3A_193 = arith.addi %mul3A_188, %mul3A_192 : i32
      %get3A_194 = arith.index_cast %add3A_193 : i32 to index
      %get3A_195 = tpu.vector_load %arg7[%get3A_194] {strides = array<i32>} : memref<16384xf32, #tpu.memory_space<vmem>>, vector<16xf32>,
      %add3A_196 = arith.constant 128 : i32
      %add3A_197 = arith.addi %add3A_193, %add3A_196 : i32
      %get3A_198 = arith.index_cast %add3A_197 : i32 to index
      %get3A_199 = tpu.vector_load %arg7[%get3A_198] {strides = array<i32>} : memref<16384xf32, #tpu.memory_space<vmem>>, vector<16xf32>,
      %add3A_200 = arith.constant 256 : i32
      %add3A_201 = arith.addi %add3A_193, %add3A_200 : i32
      %get3A_202 = arith.index_cast %add3A_201 : i32 to index
      %get3A_203 = tpu.vector_load %arg7[%get3A_202] {strides = array<i32>} : memref<16384xf32, #tpu.memory_space<vmem>>, vector<16xf32>,
      %add3A_204 = arith.constant 384 : i32
      %add3A_205 = arith.addi %add3A_193, %add3A_204 : i32
      %get3A_206 = arith.index_cast %add3A_205 : i32 to index
      %get3A_207 = tpu.vector_load %arg7[%get3A_206] {strides = array<i32>} : memref<16384xf32, #tpu.memory_space<vmem>>, vector<16xf32>,
      %get3A_208 = arith.index_cast %add3A_193 : i32 to index
      %get3A_209 = tpu.vector_load %arg8[%get3A_208] {strides = array<i32>} : memref<16384xf32, #tpu.memory_space<vmem>>, vector<16xf32>,
      %add3A_210 = arith.constant 128 : i32
      %add3A_211 = arith.addi %add3A_193, %add3A_210 : i32
      %get3A_212 = arith.index_cast %add3A_211 : i32 to index
      %get3A_213 = tpu.vector_load %arg8[%get3A_212] {strides = array<i32>} : memref<16384xf32, #tpu.memory_space<vmem>>, vector<16xf32>,
      %add3A_214 = arith.constant 256 : i32
      %add3A_215 = arith.addi %add3A_193, %add3A_214 : i32
      %get3A_216 = arith.index_cast %add3A_215 : i32 to index
      %get3A_217 = tpu.vector_load %arg8[%get3A_216] {strides = array<i32>} : memref<16384xf32, #tpu.memory_space<vmem>>, vector<16xf32>,
      %add3A_218 = arith.constant 384 : i32
      %add3A_219 = arith.addi %add3A_193, %add3A_218 : i32
      %get3A_220 = arith.index_cast %add3A_219 : i32 to index
      %get3A_221 = tpu.vector_load %arg8[%get3A_220] {strides = array<i32>} : memref<16384xf32, #tpu.memory_space<vmem>>, vector<16xf32>,
      %sub3A_222 = arith.subf %get3A_203, %get3A_195 : vector<16xf32>
      %sub3A_223 = arith.subf %get3A_207, %get3A_199 : vector<16xf32>
      %mul3A_224 = arith.mulf %sub3A_222, %sub3A_223 : vector<16xf32>
      %sub3A_225 = arith.subf %get3A_217, %get3A_209 : vector<16xf32>
      %sub3A_226 = arith.subf %get3A_221, %get3A_213 : vector<16xf32>
      %mul3A_227 = arith.mulf %sub3A_225, %sub3A_226 : vector<16xf32>
      %min3A_228 = arith.minimumf %get3A_203, %get3A_217 : vector<16xf32>
      %max3A_229 = arith.maximumf %get3A_195, %get3A_209 : vector<16xf32>
      %sub3A_230 = arith.subf %min3A_228, %max3A_229 : vector<16xf32>
      %max3A_231 = arith.constant 0.000000e+00 : f32
      %max3A_232 = vector.broadcast %max3A_231 : f32 to vector<16xf32>
      %max3A_233 = arith.maximumf %sub3A_230, %max3A_232 : vector<16xf32>
      %min3A_234 = arith.minimumf %get3A_207, %get3A_221 : vector<16xf32>
      %max3A_235 = arith.maximumf %get3A_199, %get3A_213 : vector<16xf32>
      %sub3A_236 = arith.subf %min3A_234, %max3A_235 : vector<16xf32>
      %max3A_237 = arith.constant 0.000000e+00 : f32
      %max3A_238 = vector.broadcast %max3A_237 : f32 to vector<16xf32>
      %max3A_239 = arith.maximumf %sub3A_236, %max3A_238 : vector<16xf32>
      %mul3A_240 = arith.mulf %max3A_233, %max3A_239 : vector<16xf32>
      %add3A_241 = arith.addf %mul3A_224, %mul3A_227 : vector<16xf32>
      %sub3A_242 = arith.subf %add3A_241, %mul3A_240 : vector<16xf32>
      %div3A_243 = arith.divf %mul3A_240, %sub3A_242 : vector<16xf32>
      %max3A_244 = arith.maximumf %get3A_203, %get3A_217 : vector<16xf32>
      %min3A_245 = arith.minimumf %get3A_195, %get3A_209 : vector<16xf32>
      %sub3A_246 = arith.subf %max3A_244, %min3A_245 : vector<16xf32>
      %max3A_247 = arith.constant 0.000000e+00 : f32
      %max3A_248 = vector.broadcast %max3A_247 : f32 to vector<16xf32>
      %max3A_249 = arith.maximumf %sub3A_246, %max3A_248 : vector<16xf32>
      %max3A_250 = arith.maximumf %get3A_207, %get3A_221 : vector<16xf32>
      %min3A_251 = arith.minimumf %get3A_199, %get3A_213 : vector<16xf32>
      %sub3A_252 = arith.subf %max3A_250, %min3A_251 : vector<16xf32>
      %max3A_253 = arith.constant 0.000000e+00 : f32
      %max3A_254 = vector.broadcast %max3A_253 : f32 to vector<16xf32>
      %max3A_255 = arith.maximumf %sub3A_252, %max3A_254 : vector<16xf32>
      %mul3A_256 = arith.mulf %max3A_249, %max3A_255 : vector<16xf32>
      %sub3A_257 = arith.subf %mul3A_256, %sub3A_242 : vector<16xf32>
      %div3A_258 = arith.divf %sub3A_257, %mul3A_256 : vector<16xf32>
      %sub3A_259 = arith.subf %div3A_243, %div3A_258 : vector<16xf32>
      %broadcast_in_dim3A_260 = arith.constant 1.000000e+00 : f32
      %broadcast_in_dim3A_261 = vector.broadcast %broadcast_in_dim3A_260 : f32 to vector<16xf32>
      %sub3A_262 = arith.constant 1.000000e+00 : f32
      %sub3A_263 = vector.broadcast %sub3A_262 : f32 to vector<16xf32>
      %sub3A_264 = arith.subf %sub3A_263, %sub3A_259 : vector<16xf32>
      %select_n3A_265 = arith.select %and3A_184, %sub3A_264, %broadcast_in_dim3A_35 : vector<16xi1>, vector<16xf32>
      %add3A_266 = arith.addf %add3A_169, %select_n3A_265 : vector<16xf32>
      %select_n3A_267 = arith.select %and3A_184, %broadcast_in_dim3A_261, %broadcast_in_dim3A_35 : vector<16xi1>, vector<16xf32>
      %add3A_268 = arith.addf %add3A_171, %select_n3A_267 : vector<16xf32>
      scf.yield %add3A_266, %add3A_268 : vector<16xf32>, vector<16xf32>
    }
    %scan3A_47 = arith.constant 256 : i32
    %swap3A = arith.constant 0 : i32
    %swap3A_48 = arith.index_cast %swap3A : i32 to index
    %swap3A_49 = arith.constant 0 : index
    %swap3A_50 = tpu.vector_load %arg9[%swap3A_48, %swap3A_49] {strides = array<i32>} : memref<8x16xf32, #tpu.memory_space<vmem>>, vector<16xf32>,
    tpu.vector_store %arg9[%swap3A_48, %swap3A_49], %scan3A_46#0 {strides = array<i32>} : memref<8x16xf32, #tpu.memory_space<vmem>>, vector<16xf32>,
    %swap3A_51 = arith.constant 1 : i32
    %swap3A_52 = arith.index_cast %swap3A_51 : i32 to index
    %swap3A_53 = arith.constant 0 : index
    %swap3A_54 = tpu.vector_load %arg9[%swap3A_52, %swap3A_53] {strides = array<i32>} : memref<8x16xf32, #tpu.memory_space<vmem>>, vector<16xf32>,
    tpu.vector_store %arg9[%swap3A_52, %swap3A_53], %scan3A_46#1 {strides = array<i32>} : memref<8x16xf32, #tpu.memory_space<vmem>>, vector<16xf32>,
    %swap3A_55 = arith.constant 2 : i32
    %swap3A_56 = arith.index_cast %swap3A_55 : i32 to index
    %swap3A_57 = arith.constant 0 : index
    %swap3A_58 = tpu.vector_load %arg9[%swap3A_56, %swap3A_57] {strides = array<i32>} : memref<8x16xf32, #tpu.memory_space<vmem>>, vector<16xf32>,
    tpu.vector_store %arg9[%swap3A_56, %swap3A_57], %broadcast_in_dim3A_35 {strides = array<i32>} : memref<8x16xf32, #tpu.memory_space<vmem>>, vector<16xf32>,
    %swap3A_59 = arith.constant 3 : i32
    %swap3A_60 = arith.index_cast %swap3A_59 : i32 to index
    %swap3A_61 = arith.constant 0 : index
    %swap3A_62 = tpu.vector_load %arg9[%swap3A_60, %swap3A_61] {strides = array<i32>} : memref<8x16xf32, #tpu.memory_space<vmem>>, vector<16xf32>,
    tpu.vector_store %arg9[%swap3A_60, %swap3A_61], %broadcast_in_dim3A_35 {strides = array<i32>} : memref<8x16xf32, #tpu.memory_space<vmem>>, vector<16xf32>,
    %swap3A_63 = arith.constant 4 : i32
    %swap3A_64 = arith.index_cast %swap3A_63 : i32 to index
    %swap3A_65 = arith.constant 0 : index
    %swap3A_66 = tpu.vector_load %arg9[%swap3A_64, %swap3A_65] {strides = array<i32>} : memref<8x16xf32, #tpu.memory_space<vmem>>, vector<16xf32>,
    tpu.vector_store %arg9[%swap3A_64, %swap3A_65], %broadcast_in_dim3A_35 {strides = array<i32>} : memref<8x16xf32, #tpu.memory_space<vmem>>, vector<16xf32>,
    %swap3A_67 = arith.constant 5 : i32
    %swap3A_68 = arith.index_cast %swap3A_67 : i32 to index
    %swap3A_69 = arith.constant 0 : index
    %swap3A_70 = tpu.vector_load %arg9[%swap3A_68, %swap3A_69] {strides = array<i32>} : memref<8x16xf32, #tpu.memory_space<vmem>>, vector<16xf32>,
    tpu.vector_store %arg9[%swap3A_68, %swap3A_69], %broadcast_in_dim3A_35 {strides = array<i32>} : memref<8x16xf32, #tpu.memory_space<vmem>>, vector<16xf32>,
    %swap3A_71 = arith.constant 6 : i32
    %swap3A_72 = arith.index_cast %swap3A_71 : i32 to index
    %swap3A_73 = arith.constant 0 : index
    %swap3A_74 = tpu.vector_load %arg9[%swap3A_72, %swap3A_73] {strides = array<i32>} : memref<8x16xf32, #tpu.memory_space<vmem>>, vector<16xf32>,
    tpu.vector_store %arg9[%swap3A_72, %swap3A_73], %broadcast_in_dim3A_35 {strides = array<i32>} : memref<8x16xf32, #tpu.memory_space<vmem>>, vector<16xf32>,
    %swap3A_75 = arith.constant 7 : i32
    %swap3A_76 = arith.index_cast %swap3A_75 : i32 to index
    %swap3A_77 = arith.constant 0 : index
    %swap3A_78 = tpu.vector_load %arg9[%swap3A_76, %swap3A_77] {strides = array<i32>} : memref<8x16xf32, #tpu.memory_space<vmem>>, vector<16xf32>,
    tpu.vector_store %arg9[%swap3A_76, %swap3A_77], %broadcast_in_dim3A_35 {strides = array<i32>} : memref<8x16xf32, #tpu.memory_space<vmem>>, vector<16xf32>,
    "tpu.region"() ({
      %run_scoped3A = tpu.sem_alloc : memref<!tpu.dma_semaphore, #tpu.memory_space<semaphore_mem>>
      %dma_start3A = arith.constant 0 : i32
      %dma_start3A_79 = arith.constant 0 : i32
      %dma_start3A_80 = tpu.memref_slice %arg5[%add3A, %dma_start3A, %dma_start3A_79] : memref<32x8x16xf32, #tpu.memory_space<hbm>> -> memref<1x8x16xf32, #tpu.memory_space<hbm>>
      %dma_start3A_81 = tpu.memref_squeeze %dma_start3A_80 : memref<1x8x16xf32, #tpu.memory_space<hbm>> -> memref<8x16xf32, #tpu.memory_space<hbm>>
      %dma_start3A_82 = arith.constant 0 : i32
      %dma_start3A_83 = arith.constant 0 : i32
      %dma_start3A_84 = tpu.memref_slice %arg5[%add3A, %dma_start3A_82, %dma_start3A_83] : memref<32x8x16xf32, #tpu.memory_space<hbm>> -> memref<1x8x16xf32, #tpu.memory_space<hbm>>
      %dma_start3A_85 = tpu.memref_squeeze %dma_start3A_84 : memref<1x8x16xf32, #tpu.memory_space<hbm>> -> memref<8x16xf32, #tpu.memory_space<hbm>>
      tpu.enqueue_dma source(%arg9 : memref<8x16xf32, #tpu.memory_space<vmem>>) target(%dma_start3A_85 : memref<8x16xf32, #tpu.memory_space<hbm>>) target_semaphore(%run_scoped3A : memref<!tpu.dma_semaphore, #tpu.memory_space<semaphore_mem>>)
      %dma_wait3A = arith.constant 0 : i32
      %dma_wait3A_86 = arith.constant 0 : i32
      %dma_wait3A_87 = tpu.memref_slice %arg5[%add3A, %dma_wait3A, %dma_wait3A_86] : memref<32x8x16xf32, #tpu.memory_space<hbm>> -> memref<1x8x16xf32, #tpu.memory_space<hbm>>
      %dma_wait3A_88 = tpu.memref_squeeze %dma_wait3A_87 : memref<1x8x16xf32, #tpu.memory_space<hbm>> -> memref<8x16xf32, #tpu.memory_space<hbm>>
      %dma_wait3A_89 = arith.constant 0 : i32
      %dma_wait3A_90 = arith.constant 0 : i32
      %dma_wait3A_91 = tpu.memref_slice %arg5[%add3A, %dma_wait3A_89, %dma_wait3A_90] : memref<32x8x16xf32, #tpu.memory_space<hbm>> -> memref<1x8x16xf32, #tpu.memory_space<hbm>>
      %dma_wait3A_92 = tpu.memref_squeeze %dma_wait3A_91 : memref<1x8x16xf32, #tpu.memory_space<hbm>> -> memref<8x16xf32, #tpu.memory_space<hbm>>
      tpu.wait_dma2 semaphore(%run_scoped3A : memref<!tpu.dma_semaphore, #tpu.memory_space<semaphore_mem>>) src(%arg9 : memref<8x16xf32, #tpu.memory_space<vmem>>) dst(%dma_wait3A_92 : memref<8x16xf32, #tpu.memory_space<hbm>>)
      tpu.yield
    }) : () -> ()
    return
  }
}

module attributes {stable_mosaic.version = 14 : i64} {
  func.func @_tc_body(%arg0: i32, %arg1: i32, %arg2: memref<1x80x8192xf32, #tpu.memory_space<vmem>>, %arg3: memref<8192xi32, #tpu.memory_space<vmem>>, %arg4: memref<8x128xf32, #tpu.memory_space<vmem>>, %arg5: memref<8x8192xf32, #tpu.memory_space<vmem>>) attributes {dimension_semantics = [#tpu.dimension_semantics<arbitrary>, #tpu.dimension_semantics<arbitrary>], iteration_bounds = array<i64: 8, 2>, scalar_prefetch = 0 : i64, scratch_operands = 1 : i64, tpu.core_type = #tpu.core_type<tc>, window_params = [{transform_indices = @transform_0, window_bounds = array<i64: 1, 80, 8192>}, {transform_indices = @transform_1, window_bounds = array<i64: 8192>}, {pipeline_mode = #tpu.pipeline_mode<synchronous>, transform_indices = @transform_2, window_bounds = array<i64: 8, 128>}]} {
    %eq3A = arith.constant 0 : i32
    %eq3A_0 = arith.cmpi eq, %arg0, %eq3A : i32
    %eq3A_1 = arith.constant 0 : i32
    %eq3A_2 = arith.cmpi eq, %arg1, %eq3A_1 : i32
    %and3A = arith.andi %eq3A_0, %eq3A_2 : i1
    %convert_element_type3A = arith.extui %and3A : i1 to i32
    %cond3A = arith.constant 0 : i32
    %cond3A_3 = arith.cmpi ne, %convert_element_type3A, %cond3A : i32
    scf.if %cond3A_3 {
      %broadcast_in_dim3A = arith.constant 0.000000e+00 : f32
      %broadcast_in_dim3A_58 = vector.broadcast %broadcast_in_dim3A : f32 to vector<8x8192xf32>
      %swap3A_59 = arith.constant 0 : index
      %swap3A_60 = arith.constant 0 : index
      %swap3A_61 = vector.load %arg5[%swap3A_59, %swap3A_60] : memref<8x8192xf32, #tpu.memory_space<vmem>>, vector<8x8192xf32>
      tpu.vector_store %arg5[%swap3A_59, %swap3A_60], %broadcast_in_dim3A_58 {strides = array<i32>} : memref<8x8192xf32, #tpu.memory_space<vmem>>, vector<8x8192xf32>,
    } else {
    }
    %get3A = arith.constant 0 : index
    %get3A_4 = arith.constant 0 : index
    %get3A_5 = arith.constant 0 : index
    %get3A_6 = vector.load %arg2[%get3A, %get3A_4, %get3A_5] : memref<1x80x8192xf32, #tpu.memory_space<vmem>>, vector<1x80x8192xf32>
    %reshape3A = vector.shape_cast %get3A_6 : vector<1x80x8192xf32> to vector<80x8192xf32>
    %get3A_7 = arith.constant 0 : index
    %get3A_8 = vector.load %arg3[%get3A_7] : memref<8192xi32, #tpu.memory_space<vmem>>, vector<8192xi32>
    %reshape3A_9 = vector.shape_cast %get3A_8 : vector<8192xi32> to vector<1x8192xi32>
    %mul3A = arith.constant 1.44269502 : f32
    %mul3A_10 = vector.broadcast %mul3A : f32 to vector<80x8192xf32>
    %mul3A_11 = arith.mulf %mul3A_10, %reshape3A : vector<80x8192xf32>
    %abs3A = math.absf %mul3A_11 : vector<80x8192xf32>
    %neg3A = arith.constant 0.000000e+00 : f32
    %neg3A_12 = vector.broadcast %neg3A : f32 to vector<80x8192xf32>
    %neg3A_13 = arith.subf %neg3A_12, %abs3A : vector<80x8192xf32>
    %exp23A = math.exp2 %neg3A_13 : vector<80x8192xf32>
    %add3A = arith.constant 1.000000e+00 : f32
    %add3A_14 = vector.broadcast %add3A : f32 to vector<80x8192xf32>
    %add3A_15 = arith.addf %add3A_14, %exp23A : vector<80x8192xf32>
    %log3A = math.log %add3A_15 : vector<80x8192xf32>
    %log3A_16 = arith.constant 2.000000e+00 : f32
    %log3A_17 = math.log %log3A_16 : f32
    %div3A = vector.broadcast %log3A_17 : f32 to vector<80x8192xf32>
    %div3A_18 = arith.divf %log3A, %div3A : vector<80x8192xf32>
    %max3A = arith.constant 0.000000e+00 : f32
    %max3A_19 = vector.broadcast %max3A : f32 to vector<80x8192xf32>
    %max3A_20 = arith.maximumf %mul3A_11, %max3A_19 : vector<80x8192xf32>
    %sub3A = arith.subf %abs3A, %max3A_20 : vector<80x8192xf32>
    %add3A_21 = arith.addf %max3A_20, %div3A_18 : vector<80x8192xf32>
    %add3A_22 = arith.addf %sub3A, %div3A_18 : vector<80x8192xf32>
    %mul3A_23 = arith.constant -2.000000e+00 : f32
    %mul3A_24 = vector.broadcast %mul3A_23 : f32 to vector<80x8192xf32>
    %mul3A_25 = arith.mulf %mul3A_24, %add3A_22 : vector<80x8192xf32>
    %exp23A_26 = math.exp2 %mul3A_25 : vector<80x8192xf32>
    %mul3A_27 = arith.constant -2.000000e+00 : f32
    %mul3A_28 = vector.broadcast %mul3A_27 : f32 to vector<80x8192xf32>
    %mul3A_29 = arith.mulf %mul3A_28, %add3A_21 : vector<80x8192xf32>
    %exp23A_30 = math.exp2 %mul3A_29 : vector<80x8192xf32>
    %mul3A_31 = arith.constant 0.519860387 : f32
    %mul3A_32 = vector.broadcast %mul3A_31 : f32 to vector<80x8192xf32>
    %mul3A_33 = arith.mulf %mul3A_32, %add3A_21 : vector<80x8192xf32>
    %mul3A_34 = arith.mulf %mul3A_33, %exp23A_26 : vector<80x8192xf32>
    %sub3A_35 = arith.subf %add3A_21, %mul3A_11 : vector<80x8192xf32>
    %mul3A_36 = arith.constant 0.173286796 : f32
    %mul3A_37 = vector.broadcast %mul3A_36 : f32 to vector<80x8192xf32>
    %mul3A_38 = arith.mulf %mul3A_37, %sub3A_35 : vector<80x8192xf32>
    %mul3A_39 = arith.mulf %mul3A_38, %exp23A_30 : vector<80x8192xf32>
    %iota3A = tpu.iota {dimensions = array<i32: 0>} : vector<80x8192xi32>
    %eq3A_40 = vector.broadcast %reshape3A_9 : vector<1x8192xi32> to vector<80x8192xi32>
    %eq3A_41 = arith.cmpi eq, %iota3A, %eq3A_40 : vector<80x8192xi32>
    %select_n3A = arith.select %eq3A_41, %mul3A_39, %mul3A_34 : vector<80x8192xi1>, vector<80x8192xf32>
    %get3A_42 = arith.constant 0 : index
    %get3A_43 = arith.constant 0 : index
    %get3A_44 = vector.load %arg5[%get3A_42, %get3A_43] : memref<8x8192xf32, #tpu.memory_space<vmem>>, vector<8x8192xf32>
    %reshape3A_45 = vector.shape_cast %select_n3A : vector<80x8192xf32> to vector<10x8x8192xf32>
    %reduce_sum3A = arith.constant dense<0.000000e+00> : vector<8x8192xf32>
    %reduce_sum3A_46 = vector.multi_reduction <add>, %reshape3A_45, %reduce_sum3A [0] : vector<10x8x8192xf32> to vector<8x8192xf32>
    %add3A_47 = arith.addf %get3A_44, %reduce_sum3A_46 : vector<8x8192xf32>
    %swap3A = arith.constant 0 : index
    %swap3A_48 = arith.constant 0 : index
    %swap3A_49 = vector.load %arg5[%swap3A, %swap3A_48] : memref<8x8192xf32, #tpu.memory_space<vmem>>, vector<8x8192xf32>
    tpu.vector_store %arg5[%swap3A, %swap3A_48], %add3A_47 {strides = array<i32>} : memref<8x8192xf32, #tpu.memory_space<vmem>>, vector<8x8192xf32>,
    %eq3A_50 = arith.constant 7 : i32
    %eq3A_51 = arith.cmpi eq, %arg0, %eq3A_50 : i32
    %eq3A_52 = arith.constant 1 : i32
    %eq3A_53 = arith.cmpi eq, %arg1, %eq3A_52 : i32
    %and3A_54 = arith.andi %eq3A_51, %eq3A_53 : i1
    %convert_element_type3A_55 = arith.extui %and3A_54 : i1 to i32
    %cond3A_56 = arith.constant 0 : i32
    %cond3A_57 = arith.cmpi ne, %convert_element_type3A_55, %cond3A_56 : i32
    scf.if %cond3A_57 {
      %get3A_58 = arith.constant 0 : index
      %get3A_59 = arith.constant 0 : index
      %get3A_60 = vector.load %arg5[%get3A_58, %get3A_59] : memref<8x8192xf32, #tpu.memory_space<vmem>>, vector<8x8192xf32>
      %reshape3A_61 = vector.shape_cast %get3A_60 : vector<8x8192xf32> to vector<8x64x128xf32>
      %reduce_sum3A_62 = arith.constant dense<0.000000e+00> : vector<8x128xf32>
      %reduce_sum3A_63 = vector.multi_reduction <add>, %reshape3A_61, %reduce_sum3A_62 [1] : vector<8x64x128xf32> to vector<8x128xf32>
      %swap3A_64 = arith.constant 0 : index
      %swap3A_65 = arith.constant 0 : index
      %swap3A_66 = vector.load %arg4[%swap3A_64, %swap3A_65] : memref<8x128xf32, #tpu.memory_space<vmem>>, vector<8x128xf32>
      tpu.vector_store %arg4[%swap3A_64, %swap3A_65], %reduce_sum3A_63 {strides = array<i32>} : memref<8x128xf32, #tpu.memory_space<vmem>>, vector<8x128xf32>,
    } else {
    }
    return
  }
  func.func @transform_0(%arg0: i32, %arg1: i32) -> (i32, i32, i32) {
    %c0_i32 = arith.constant 0 : i32
    %c0_i32_0 = arith.constant 0 : i32
    return %arg0, %c0_i32, %arg1 : i32, i32, i32
  }
  func.func @transform_1(%arg0: i32, %arg1: i32) -> i32 {
    %mul3A = arith.constant 2 : i32
    %mul3A_0 = arith.muli %arg0, %mul3A : i32
    %add3A = arith.addi %mul3A_0, %arg1 : i32
    %c0_i32 = arith.constant 0 : i32
    return %add3A : i32
  }
  func.func @transform_2(%arg0: i32, %arg1: i32) -> (i32, i32) {
    %c0_i32 = arith.constant 0 : i32
    %c0_i32_0 = arith.constant 0 : i32
    %c0_i32_1 = arith.constant 0 : i32
    return %c0_i32, %c0_i32_0 : i32, i32
  }
}

</mosaic_0001>

<sc_bundles>
// kernel: kernel.4.cloned.1.call-start
scs
__scs_entry_jumppad:
0x0: {  	(pc) =	sbr.rel $0x88, $3  }
0x1: {  	(tag) =	ssettag $0x0;
	lr =	simm.s32 $0x1  }
0x2: {  	[smem:$0x3F9D] =	sst lr;
	_ =	strace $0xD0000000  }
0x3: {  	_ = 	snop  }
0x4: {  	_ = 	snop  }
0x5: {  	_ = 	snop  }
0x6: {  	_ = 	snop  }
0x7: {  	_ = 	snop  }
__scs_overlays_trampoline_lowered:
0x8: {  	[smem:$0x3FAC] =	sst s0  }
0x9: {  	[smem:$0x3FAD] =	sst s1  }
0xa: {  	[smem:$0x3FAE] =	sst s2  }
0xb: {  	[smem:$0x3FAF] =	sst s3  }
0xc: {  	[smem:$0x3FB0] =	sst s4  }
0xd: {  	[smem:$0x3FB1] =	sst s5  }
0xe: {  	[smem:$0x3FB2] =	sst s6  }
0xf: {  	[smem:$0x3FB3] =	sst s7  }
0x10: {  	[smem:$0x3FB4] =	sst s8  }
0x11: {  	[smem:$0x3FB5] =	sst s9;
	s0 =	simm.s32 @!p0 $0x0  }
0x12: {  	s1 =	sld [smem:$0x3F9B];
	s0 =	simm.s32 @p0 $0x1  }
0x13: {  	[smem:$0x3FB6] =	sst s0;
	s0 =	simm.s32 @!p1 $0x0  }
0x14: {  	s2 =	sld [smem:$0x3F9A];
	s0 =	simm.s32 @p1 $0x1  }
0x15: {  	[smem:$0x3FB7] =	sst s0;
	s0 =	simm.s32 @!p2 $0x0  }
0x16: {  	s3 =	sld [smem:$0x3FDB];
	s0 =	simm.s32 @p2 $0x1  }
0x17: {  	s4 =	simm.s32 $0x1BF5;
	[smem:$0x3FB9] =	sst s0  }
0x18: {  	s0 =	sld [smem:$0x3F9C];
	_ =	swait.ge [sflag:s4], $0x0  }
0x19: {  	s7 =	sld [smem:$0x3F9D]  }
0x1a: {  	s8 =	sadd.s32 $0xFFFFE003, lr  }
0x1b: {  	s9 =	sadd.s32 $0xFFFFFEF7, lr;
	s5 =	simm.s32 $0xFFFFFFFF;
	p2 =	slt.u32 s8, $0xFFFFF086  }
0x1c: {  	p1 =	slt.u32 s9, $0xF7A;
	s5 =	simm.s32 @!p2 $0x0  }
0x1d: {  	s5 =	simm.s32 @p1 $0x1;
	p0 =	seq.s32 s7, s2  }
0x1e: {  	s7 =	smul.u32 @!p0 $0xF7A, s2;
	p2 =	seq.s32 @!p0 s5, $0x0  }
0x1f: {  	s9 =	smul.u32 $0xF7A, s1;
	s8 =	simm.s32 @!p0 $0x1BF5;
	p2 =	por !p2, p0  }
0x20: {  	[sflag:s8] =	ssyncset.s32 @!p0 $0xFFFFF086;
	s6 =	sadd.s32 @!p0 s3, s7;
	s7 =	simm.s32 @!p0 $0x108  }
0x21: {  	s3 =	sadd.s32 s3, s9;
	s6 =	sadd.s32 @!p0 $0x88, s6;
	s7 =	simm.s32 @p2 $0x1082  }
0x22: {  	[simem:s7], [sflag:s8] =	dma.local @!p0 [hbm:s6], $0xF7A  }
0x23: {  	s9 =	sor.u32 $0xD0000000, s2;
	s6 =	simm.s32 $0x108;
	_ =	swait.ge @!p0 [sflag:s8], $0x0  }
0x24: {  	s3 =	sadd.s32 $0x88, s3;
	s6 =	simm.s32 @!p1 $0x1082;
	[sflag:s4] =	ssyncset.s32 $0xFFFFF086  }
0x25: {  	[simem:s6], [sflag:s4] =	dma.local [hbm:s3], $0xF7A  }
0x26: {  	[smem:$0x3F9D] =	sst s1;
	(tag) =	ssettag s2;
	_ =	strace s9  }
0x27: {  	s1 =	sld [smem:$0x3FAD]  }
0x28: {  	s2 =	sld [smem:$0x3FAE]  }
0x29: {  	s4 =	sld [smem:$0x3FB0]  }
0x2a: {  	p0 =	seq.s32 s5, $0x0;
	s5 =	sld [smem:$0x3FB1]  }
0x2b: {  	s6 =	sld [smem:$0x3FB2]  }
0x2c: {  	s7 =	sld [smem:$0x3FB3]  }
0x2d: {  	s3 =	simm.s32 $0x108;
	s8 =	sld [smem:$0x3FB4]  }
0x2e: {  	s3 =	simm.s32 @!p0 $0x1082;
	s9 =	sld [smem:$0x3FB5]  }
0x2f: {  	lr =	sadd.s32 s0, s3;
	s0 =	sld [smem:$0x3FAC]  }
0x30: {  	s3 =	sld [smem:$0x3FAF]  }
0x31: {  	[smem:$0x3FB8] =	sst s10  }
0x32: {  	s10 =	sld [smem:$0x3FB6];
	_ =	sdelay $0x3  }
0x33: {  	p0 =	seq.s32 s10, $0x1;
	s10 =	sld [smem:$0x3FB8];
	_ =	sdelay $0x3  }
0x34: {  	[smem:$0x3FB8] =	sst s10  }
0x35: {  	s10 =	sld [smem:$0x3FB7];
	_ =	sdelay $0x3  }
0x36: {  	p1 =	seq.s32 s10, $0x1;
	s10 =	sld [smem:$0x3FB8];
	_ =	sdelay $0x3  }
0x37: {  	[smem:$0x3FB8] =	sst s10  }
0x38: {  	s10 =	sld [smem:$0x3FB9]  }
0x39: {  	_ = 	snop;
	(pc) =	sbr.ind lr, $3  }
0x3a: {  	_ = 	snop  }
0x3b: {  	_ = 	snop  }
0x3c: {  	p2 =	seq.s32 s10, $0x1;
	s10 =	sld [smem:$0x3FB8]  }
0x3d: {  	_ =	shalt  }
0x3e: {  	_ =	shalt  }
0x3f: {  	_ =	shalt  }
0x40: {  	_ =	shalt  }
0x41: {  	_ =	shalt  }
0x42: {  	_ =	shalt  }
0x43: {  	_ =	shalt  }
0x44: {  	_ =	shalt  }
0x45: {  	_ =	shalt  }
0x46: {  	_ =	shalt  }
0x47: {  	_ =	shalt  }
0x48: {  	_ =	shalt  }
0x49: {  	_ =	shalt  }
0x4a: {  	_ =	shalt  }
0x4b: {  	_ =	shalt  }
0x4c: {  	_ =	shalt  }
0x4d: {  	_ =	shalt  }
0x4e: {  	_ =	shalt  }
0x4f: {  	_ =	shalt  }
0x50: {  	_ =	shalt  }
0x51: {  	_ =	shalt  }
0x52: {  	_ =	shalt  }
0x53: {  	_ =	shalt  }
0x54: {  	_ =	shalt  }
0x55: {  	_ =	shalt  }
0x56: {  	_ =	shalt  }
0x57: {  	_ =	shalt  }
0x58: {  	_ =	shalt  }
0x59: {  	_ =	shalt  }
0x5a: {  	_ =	shalt  }
0x5b: {  	_ =	shalt  }
0x5c: {  	_ =	shalt  }
0x5d: {  	_ =	shalt  }
0x5e: {  	_ =	shalt  }
0x5f: {  	_ =	shalt  }
0x60: {  	_ =	shalt  }
0x61: {  	_ =	shalt  }
0x62: {  	_ =	shalt  }
0x63: {  	_ =	shalt  }
0x64: {  	_ =	shalt  }
0x65: {  	_ =	shalt  }
0x66: {  	_ =	shalt  }
0x67: {  	_ =	shalt  }
0x68: {  	_ =	shalt  }
0x69: {  	_ =	shalt  }
0x6a: {  	_ =	shalt  }
0x6b: {  	_ =	shalt  }
0x6c: {  	_ =	shalt  }
0x6d: {  	_ =	shalt  }
0x6e: {  	_ =	shalt  }
0x6f: {  	_ =	shalt  }
0x70: {  	_ =	shalt  }
0x71: {  	_ =	shalt  }
0x72: {  	_ =	shalt  }
0x73: {  	_ =	shalt  }
0x74: {  	_ =	shalt  }
0x75: {  	_ =	shalt  }
0x76: {  	_ =	shalt  }
0x77: {  	_ =	shalt  }
0x78: {  	_ =	shalt  }
0x79: {  	_ =	shalt  }
0x7a: {  	_ =	shalt  }
0x7b: {  	_ =	shalt  }
0x7c: {  	_ =	shalt  }
0x7d: {  	_ =	shalt  }
0x7e: {  	_ =	shalt  }
0x7f: {  	_ =	shalt  }
0x80: {  	_ =	shalt  }
0x81: {  	_ =	shalt  }
0x82: {  	_ =	shalt  }
0x83: {  	_ =	shalt  }
0x84: {  	_ =	shalt  }
0x85: {  	_ =	shalt  }
0x86: {  	_ =	shalt  }
0x87: {  	_ =	shalt  }
.Lfunc_end0:
.L_simem_size_0:
called_computation_lowered:
.L_overlay_start_0:
0x88: {  	s2 =	sld [smem:$0x3FD9]  }
0x89: {  	s3 =	sld [smem:$0x3FFE];
	_ =	sdelay $0x1  }
0x8a: {  	s1 =	srdreg.scid  }
0x8b: {  	s0 =	sand.u32 $0x1, s1  }
0x8c: {  	s17 =	sshll.u32 s0, $0xA;
	s2 =	sadd.s32 s3, s2  }
0x8d: {  	s2 =	sadd.s32 s2, s17  }
0x8e: {  	[smem:$0x3FC4] =	sst s2  }
0x8f: {  	_ = 	snop  }
0x90: {  	s2 =	sld [smem:$0x3FC8]  }
0x91: {  	s18 =	sld [smem:$0x3FC7]  }
0x92: {  	s4 =	sld [smem:$0x3FC6];
	(tm) =	ssettm $0x1  }
0x93: {  	s5 =	sld [smem:$0x3FFB];
	_ =	sdelay $0x3  }
0x94: {  	_ =	strace s5  }
0x95: {  	s5 =	sld [smem:$0x3FFC];
	_ =	sdelay $0x3  }
0x96: {  	_ =	strace s5  }
0x97: {  	s5 =	sld [smem:$0x3FFD];
	_ =	sdelay $0x3  }
0x98: {  	_ =	strace s5  }
0x99: {  	_ =	strace $0x8FFFFFFF  }
0x9a: {  	s19 =	sld [smem:$0x3FDB];
	_ =	sdelay $0x1  }
0x9b: {  	s6 =	simm.s32 $_scs_section_size  }
0x9c: {  	s7 =	simm.s32 $_size__tile_overlayer_lowered;
	s8 =	simm.s32 $_tile_overlayer_lowered  }
0x9d: {  	s22 =	simm.s32 $0x1BFF;
	s21 =	sshll.u32 s8, $0x1;
	s5 =	sadd.s32 s6, s19  }
0x9e: {  	s9 =	simm.s32 $0x0;
	s20 =	sshll.u32 s7, $0x1;
	s7 =	sadd.s32 s21, s5  }
0x9f: {  	[timem:s9], [sflag:s22] =	dma.local [hbm:s7], s20  }
0xa0: {  	_ =	swait.ge [sflag:s22], s20  }
0xa1: {  	s6 =	ssub.s32 $0x0, s20;
	[sflag:s22] =	ssyncset.done $0x0  }
0xa2: {  	[sflag:s22] =	ssyncadd.s32 s6;
	_ =	sdelay $0x1  }
0xa3: {  	s23 =	simm.s32 $0x1B8B  }
0xa4: {  	_ =	swait.ge [sflag:s23], $0x1  }
0xa5: {  	[sflag:s23] =	ssyncset.done $0x0  }
0xa6: {  	s25 =	simm.s32 $0x1B8E;
	s24 =	sld [smem:$0x3FFE];
	[sflag:s23] =	ssyncadd.s32 $0xFFFFFFFF  }
0xa7: {  	s26 =	simm.s32 $execute0_lowered;
	[smem:$0x3FD2] =	sst s25  }
0xa8: {  	s7 =	sshll.u32 s26, $0x1;
	_ =	strace $0x80000046;
	[dreg:$0x1] =	wrdreg $0xFFFFFFFF  }
0xa9: {  	s28 =	simm.s32 $_size_execute0_lowered;
	s5 =	sadd.s32 s5, s7;
	[dreg:$0x0] =	wrdreg $0x0  }
0xaa: {  	s7 =	sshll.u32 s28, $0x1;
	[dreg:$0x2] =	wrdreg s5  }
0xab: {  	[dreg:$0x3] =	wrdreg s7  }
0xac: {  	[dreg:$0x4] =	wrdreg $0xC0  }
0xad: {  	_ =	task [dreg:s9], $0x5FFFF  }
0xae: {  	[dreg:$0x1] =	wrdreg $0xFFFFFFFF  }
0xaf: {  	[dreg:$0x0] =	wrdreg $0x60  }
0xb0: {  	[dreg:$0x2] =	wrdreg s18  }
0xb1: {  	[dreg:$0x3] =	wrdreg s2  }
0xb2: {  	[dreg:$0x4] =	wrdreg s4  }
0xb3: {  	[dreg:$0x5] =	wrdreg s24  }
0xb4: {  	[dreg:$0x6] =	wrdreg $0x9  }
0xb5: {  	_ =	task.clear_ibuf [dreg:s9], $0x7FFFF;
	_ =	strace $0x90000046  }
0xb6: {  	s29 =	simm.s32 $0x9;
	_ =	strace $0x80000048  }
0xb7: {  	_ =	swait.ge [sflag:s29], $0x1  }
0xb8: {  	[sflag:s29] =	ssyncadd.s32 $0xFFFFFFFF  }
0xb9: {  	_ =	strace $0x90000048  }
0xba: {  	_ =	sfence  }
0xbb: {  	s30 =	sld [smem:$0x0];
	_ =	sdelay $0x2  }
0xbc: {  	s31 =	sshll.u32 s1, $0xD;
	s1 =	sshrl.u32 s1, $0x2  }
0xbd: {  	s3 =	sand.u32 $0x4000, s31;
	s1 =	sadd.s32 s1, s30  }
0xbe: {  	s0 =	sor.u32 s3, s0;
	s1 =	sshll.u32 s1, $0x11  }
0xbf: {  	s0 =	sor.u32 s1, s0  }
0xc0: {  	s0 =	sadd.s32 $0x8F2B, s0  }
0xc1: {  	[sflag:s0] =	ssyncadd.remote.s32 $0x1  }
0xc2: {  	_ =	sfence.sel $0xFFFF  }
0xc3: {  	[dreg:$0x0] =	wrdreg $0xFFFFFFFF;
	(pc) =	sbr.abs _section_cstart, $3  }
0xc4: {  	[dreg:$0x1] =	wrdreg $0xFFFFFFFF  }
0xc5: {  	_ =	task.clear_ibuf [dreg:s9], $0x2FFFF;
	_ =	strace $0x9FFFFFFF  }
0xc6: {  	(tm) =	ssettm $0x7FFFFFFF  }
0xc7: {  	_ =	shalt  }
tec
execute0_lowered:
.L_overlay_start_1:
0x0: {  	(tag) =	ssettag $0x1  }
0x1: {  	s3 =	rddreg [dreg:$0x0]  }
0x2: {  	s4 =	rddreg [dreg:$0x1]  }
0x3: {  	s5 =	rddreg [dreg:$0x2]  }
0x4: {  	s6 =	rddreg [dreg:$0x3]  }
0x5: {  	s0 =	rddreg [dreg:$0x4];
	s7 =	srdreg.scid  }
0x6: {  	s2 =	simm.s32 $0x0;
	s1 =	stileid.u32;
	s12 =	simm.s32 $0x0  }
0x7: {  	s7 =	sand.u32 $0x1, s7;
	[smem:$0x7FF] =	sst s2;
	s9 =	sshll.u32 s1, $0x1  }
0x8: {  	s29 =	sshll.u32 s1, $0xC;
	s8 =	ssub.s32 $0x2, s7;
	_ =	strace $0x80000047  }
0x9: {  	s7 =	sor.u32 s7, s9;
	s30 =	sand.u32 $0xE000, s29;
	s10 =	sshrl.u32 s8, $0x1  }
0xa: {  	s9 =	sshll.u32 s7, $0x9;
	s31 =	sshll.u32 s7, $0xB;
	s4 =	sadd.s32 s4, s30  }
0xb: {  	s7 =	sshll.u32 s7, $0x7;
	s8 =	ssub.s32 s8, s10;
	s3 =	sadd.s32 s3, s9  }
0xc: {  	s11 =	sand.u32 $0x1800, s31;
	s5 =	sadd.s32 s5, s31;
	s6 =	sadd.s32 s6, s7  }
0xd: {  	s9 =	simm.s32 $0x1000;
	s10 =	simm.s32 $0x5000;
	s4 =	sadd.s32 s11, s4  }
0xe: {  	v0 =	vimm.f32 $0.0e+00;
	s7 =	smax.u32 s8, $0x1;
	s8 =	simm.s32 $0x1;
	s11 =	simm.s32 $0x9000  }
.LBB2_1:
0xf: {  	[tilespmem:s2], [sflag:$0x1] =	stream.linear.gather [hbm4b:s3+s2], $0x1000, $0x38;
	[tilespmem:$0x9400] =	vst v63  }
0x10: {  	_ =	swait.ge [sflag:s8], $0x1000  }
0x11: {  	[sflag:s8] =	ssyncset.done $0x0  }
0x12: {  	[sflag:s8] =	ssyncadd.s32 $0xFFFFF000  }
0x13: {  	[tilespmem:s9], [sflag:$0x1] =	stream.linear.gather [hbm4b:s4+s2], $0x4000, $0x38;
	[tilespmem:$0x9400] =	vst v63  }
0x14: {  	_ =	swait.ge [sflag:s8], $0x4000  }
0x15: {  	[sflag:s8] =	ssyncset.done $0x0  }
0x16: {  	[sflag:s8] =	ssyncadd.s32 $0xFFFFC000  }
0x17: {  	[tilespmem:s10], [sflag:$0x1] =	stream.linear.gather [hbm4b:s5+s2], $0x4000, $0x38;
	[tilespmem:$0x9400] =	vst v63  }
0x18: {  	s13 =	simm.s32 $0x10;
	_ =	swait.ge [sflag:s8], $0x4000  }
0x19: {  	s14 =	sand.u32 $0x3E00, s2;
	s13 =	sand.u32 $0x70, s13;
	[sflag:s8] =	ssyncset.done $0x0  }
0x1a: {  	s13 =	sor.u32 s14, s13;
	[sflag:s8] =	ssyncadd.s32 $0xFFFFC000  }
0x1b: {  	v1 =	vld [tilespmem:s13+$0x1000]  }
0x1c: {  	v2 =	vld [tilespmem:s13+$0x1080]  }
0x1d: {  	v3 =	vld [tilespmem:s13+$0x1100]  }
0x1e: {  	s15 =	simm.s32 $0x0;
	v4 =	vld [tilespmem:s13+$0x5000]  }
0x1f: {  	s15 =	sand.u32 $0x60, s15;
	v5 =	vld [tilespmem:s13+$0x5080]  }
0x20: {  	s14 =	sor.u32 s15, s14;
	v6 =	vld [tilespmem:s13+$0x5100]  }
0x21: {  	v7 =	vld [tilespmem:s14+$0x1000]  }
0x22: {  	v8 =	vld [tilespmem:s14+$0x1080]  }
0x23: {  	v10 =	vld [tilespmem:s14+$0x5000]  }
0x24: {  	s20 =	sand.u32 $0x3, s2;
	s21 =	sand.u32 $0x7, s2;
	v11 =	vld [tilespmem:s14+$0x5100]  }
0x25: {  	s22 =	sshll.u32 s21, $0x4;
	s13 =	sshll.u32 s20, $0x5;
	v12 =	vld [tilespmem:s14+$0x5080]  }
0x26: {  	v9 =	vld [tilespmem:s14+$0x1100];
	s14 =	sadd.s32 $0x0, s22;
	s13 =	sadd.s32 $0x0, s13  }
0x27: {  	s14 =	sadd.s32 $0x10, s14;
	s13 =	sor.u32 $0x180, s13;
	v13 =	vmax.f32 v3, v6;
	v14 =	vmin.f32 v1, v4  }
0x28: {  	s23 =	sor.u32 $0x180, s14;
	v18 =	vld [tilespmem:s13+$0x1000];
	v15 =	vsub.f32 v3, v1;
	v16 =	vsub.f32 v6, v4;
	v17 =	vmin.f32 v2, v5  }
0x29: {  	v20 =	vld [tilespmem:s23+$0x1000];
	v3 =	vmin.f32 v3, v6;
	v1 =	vmax.f32 v1, v4;
	v4 =	vmax.f32 v2, v5  }
0x2a: {  	v22 =	vld [tilespmem:s23+$0x5000];
	v19 =	vmin.f32 v7, v10;
	v21 =	vmin.f32 v8, v12;
	v23 =	vsub.f32 v11, v10  }
0x2b: {  	v6 =	vld [tilespmem:s13+$0x5000];
	v13 =	vsub.f32 v13, v14;
	v14 =	vmax.f32 v9, v11;
	v1 =	vsub.f32 v3, v1  }
0x2c: {  	v3 =	vsub.f32 v9, v7;
	v9 =	vmin.f32 v9, v11;
	v7 =	vmax.f32 v7, v10  }
0x2d: {  	v7 =	vsub.f32 v9, v7;
	v9 =	vmax.f32 v8, v12;
	v10 =	vsub.f32 v14, v19  }
0x2e: {  	s24 =	simm.s32 $0x0;
	v8 =	vsub.f32 v18, v8;
	v14 =	vmax.f32 v1, $0.0e+00;
	v13 =	vmax.f32 v13, $0.0e+00  }
0x2f: {  	s25 =	simm.s32 $0x30;
	s26 =	simm.s32 $0x80;
	s28 =	simm.s32 $0x20;
	v19 =	vld [tilespmem:s24+$0x0];
	v1 =	vsub.f32 v20, v2;
	v5 =	vsub.f32 v22, v5;
	v7 =	vmax.f32 v7, $0.0e+00  }
0x30: {  	s15 =	sand.u32 $0x3E00, s26;
	s14 =	sand.u32 $0x70, s25;
	s13 =	sand.u32 $0x60, s28;
	v10 =	vmax.f32 v10, $0.0e+00;
	v11 =	vsub.f32 v6, v12;
	v12 =	vmax.f32 v18, v6  }
0x31: {  	s14 =	sor.u32 s15, s14;
	s15 =	sor.u32 s13, s15;
	v2 =	vld [tilespmem:s24+$0x10];
	v6 =	vmin.f32 v18, v6;
	v18 =	vmax.f32 v20, v22;
	v3 =	vmul.f32 v8, v3  }
0x32: {  	v5 =	vmul.f32 v5, v16;
	v16 =	vld [tilespmem:s15+$0x1100];
	v12 =	vsub.f32 v12, v21;
	v6 =	vsub.f32 v6, v9  }
0x33: {  	v9 =	vmin.f32 v20, v22;
	v20 =	vld [tilespmem:s14+$0x1000];
	v17 =	vsub.f32 v18, v17;
	v8 =	vmul.f32 v11, v23  }
0x34: {  	v21 =	vld [tilespmem:s14+$0x1080];
	v4 =	vsub.f32 v9, v4;
	vm1 =	vgt.s32 v19, $0xFFFFFFFF;
	v6 =	vmax.f32 v6, $0.0e+00  }
0x35: {  	v22 =	vld [tilespmem:s15+$0x5100];
	v11 =	vmax.f32 v12, $0.0e+00;
	v18 =	vmul.f32 v6, v7;
	v3 =	vadd.f32 v8, v3  }
0x36: {  	v9 =	vld [tilespmem:s14+$0x1100];
	vm3 =	vne.s32 v19, $0x50;
	v12 =	vmul.f32 v1, v15;
	v11 =	vmul.f32 v11, v10  }
0x37: {  	v19 =	vld [tilespmem:s15+$0x5000];
	v4 =	vmax.f32 v4, $0.0e+00;
	v6 =	vmax.f32 v17, $0.0e+00;
	v3 =	vsub.f32 v3, v18  }
0x38: {  	v15 =	vld [tilespmem:s14+$0x5000];
	v4 =	vmul.f32 v4, v14;
	v5 =	vadd.f32 v5, v12;
	(erf) = vrcp.f32 v11  }
0x39: {  	v1 =	vld [tilespmem:s14+$0x5080];
	v13 =	vmul.f32 v6, v13;
	(erf) = vrcp.f32 v3  }
0x3a: {  	v7 =	vld [tilespmem:s14+$0x5100];
	v14 =	vsub.f32 v5, v4  }
0x3b: {  	s13 =	simm.s32 $0x1;
	(erf) = vrcp.f32 v13  }
0x3c: {  	s29 =	sand.u32 $0x3, s13;
	vm0 =	vgt.s32 v2, $0xFFFFFFFF;
	vm2 =	vne.s32 v2, $0x50;
	v12 =	vld [tilespmem:s15+$0x1000];
	(erf) = vrcp.f32 v14  }
0x3d: {  	vm1 =	vmand vm1, vm3;
	vm0 =	vmand vm0, vm2;
	s14 =	sshll.u32 s29, $0x5;
	v25 =	vmax.f32 v16, v22  }
0x3e: {  	v23 =	vld [tilespmem:s15+$0x5080];
	s30 =	sadd.s32 $0x80, s14;
	s14 =	simm.s32 $0x2;
	v5 =	vsub.f32 v9, v20;
	v10 =	vmin.f32 v20, v15;
	v8 =	vmin.f32 v21, v1  }
0x3f: {  	v17 =	vld [tilespmem:s15+$0x1080];
	s16 =	sand.u32 $0x7, s14;
	s15 =	sor.u32 $0x180, s30;
	v3 =	vsub.f32 v11, v3;
	v11 =	vsub.f32 v22, v19;
	v6 =	vmax.f32 v9, v7  }
0x40: {  	s16 =	sshll.u32 s16, $0x4;
	v2 =	vsub.f32 v7, v15;
	v24 =	vmin.f32 v9, v7;
	v15 =	vmax.f32 v20, v15;
	v20 =	vld [tilespmem:s15+$0x1000]  }
0x41: {  	v27 =	vld [tilespmem:s15+$0x5000];
	s16 =	sadd.s32 $0x80, s16;
	v26 =	vsub.f32 v6, v10;
	v24 =	vsub.f32 v24, v15;
	v15 =	vmin.f32 v12, v19;
	v28 =	vpop (erf)  }
0x42: {  	s31 =	sadd.s32 $0x10, s16;
	v10 =	vsub.f32 v16, v12;
	v16 =	vmin.f32 v16, v22;
	v12 =	vmax.f32 v12, v19;
	v22 =	vpop (erf)  }
0x43: {  	v13 =	vsub.f32 v13, v14;
	s16 =	sor.u32 $0x180, s31;
	v3 =	vmul.f32 v3, v28;
	v18 =	vmul.f32 v22, v18  }
0x44: {  	v29 =	vmin.f32 v17, v23;
	v14 =	vsub.f32 v16, v12;
	v16 =	vld [tilespmem:s16+$0x1000];
	v15 =	vsub.f32 v25, v15;
	v22 =	vpop (erf)  }
0x45: {  	v19 =	vmax.f32 v17, v23;
	v17 =	vsub.f32 v20, v17;
	v12 =	vpop (erf);
	v3 =	vsub.f32 v3, v18  }
0x46: {  	v4 =	vmul.f32 v12, v4;
	v12 =	vmul.f32 v13, v22;
	v13 =	vmax.f32 v20, v27  }
0x47: {  	v25 =	vmin.f32 v20, v27;
	v20 =	vsub.f32 v13, v29;
	v13 =	vmax.f32 v24, $0.0e+00;
	v24 =	vld [tilespmem:s16+$0x5000]  }
0x48: {  	v9 =	vmax.f32 v21, v1;
	v7 =	vsel vm1, $0x3F800000, v0;
	v3 =	vadd.f32 $1.000000000e+00, v3  }
0x49: {  	v6 =	vsel vm0, $0x3F800000, v0;
	v21 =	vsub.f32 v16, v21;
	v4 =	vsub.f32 v12, v4  }
0x4a: {  	s18 =	simm.s32 $0x20;
	v18 =	vsub.f32 v27, v23;
	v12 =	vmax.f32 v26, $0.0e+00;
	v23 =	vnsel vm1, $0x0, v3  }
0x4b: {  	s17 =	simm.s32 $0x100;
	s15 =	simm.s32 $0x2;
	s16 =	simm.s32 $0x50;
	v22 =	vadd.f32 $1.000000000e+00, v4;
	v4 =	vimm.f32 $0.0e+00;
	v3 =	vimm.f32 $0.0e+00  }
.LBB2_2:
0x4c: {  	s19 =	sand.u32 $0x3E00, s17;
	s20 =	sand.u32 $0x70, s16;
	v26 =	vld [tilespmem:s18+$0x10];
	v27 =	vmax.f32 v16, v24;
	v4 =	vadd.f32 v23, v4;
	v3 =	vadd.f32 v7, v3  }
0x4d: {  	v19 =	vsub.f32 v25, v19;
	v23 =	vsub.f32 v24, v1;
	s20 =	sor.u32 s19, s20;
	v7 =	vld [tilespmem:s18+$0x0];
	v1 =	vnsel vm0, $0x0, v22  }
0x4e: {  	v16 =	vmin.f32 v16, v24;
	v22 =	vld [tilespmem:s20+$0x1000];
	v4 =	vadd.f32 v1, v4;
	v3 =	vadd.f32 v6, v3  }
0x4f: {  	v8 =	vsub.f32 v27, v8;
	v6 =	vmax.f32 v14, $0.0e+00;
	v14 =	vmax.f32 v15, $0.0e+00;
	v28 =	vld [tilespmem:s20+$0x1080]  }
0x50: {  	v10 =	vmul.f32 v17, v10;
	v11 =	vmul.f32 v18, v11;
	v9 =	vsub.f32 v16, v9;
	v15 =	vld [tilespmem:s20+$0x1100]  }
0x51: {  	v18 =	vmax.f32 v20, $0.0e+00;
	s18 =	sadd.s32 $0xFFFFFFF0, s16;
	v5 =	vmul.f32 v21, v5;
	v17 =	vmax.f32 v19, $0.0e+00;
	v16 =	vld [tilespmem:s20+$0x5000]  }
0x52: {  	s18 =	sand.u32 $0x60, s18;
	v2 =	vmul.f32 v23, v2;
	v17 =	vmul.f32 v17, v6;
	v6 =	vadd.f32 v11, v10;
	v1 =	vld [tilespmem:s20+$0x5080]  }
0x53: {  	s18 =	sor.u32 s18, s19;
	v11 =	vmul.f32 v18, v14;
	v9 =	vmax.f32 v9, $0.0e+00;
	v8 =	vmax.f32 v8, $0.0e+00;
	v10 =	vld [tilespmem:s20+$0x5100]  }
0x54: {  	v13 =	vmul.f32 v9, v13;
	v2 =	vadd.f32 v2, v5;
	v18 =	vsub.f32 v6, v17;
	v14 =	vld [tilespmem:s18+$0x1000]  }
0x55: {  	v12 =	vmul.f32 v8, v12;
	v20 =	vld [tilespmem:s18+$0x1080];
	(erf) = vrcp.f32 v11  }
0x56: {  	vm0 =	vgt.s32 v26, $0xFFFFFFFF;
	v21 =	vsub.f32 v2, v13;
	v19 =	vld [tilespmem:s18+$0x1100];
	(erf) = vrcp.f32 v18  }
0x57: {  	vm2 =	vne.s32 v26, $0x50;
	vm1 =	vgt.s32 v7, $0xFFFFFFFF;
	v23 =	vld [tilespmem:s18+$0x5000];
	(erf) = vrcp.f32 v12  }
0x58: {  	s13 =	sadd.s32 $0x1, s13;
	vm3 =	vne.s32 v7, $0x50;
	vm0 =	vmand vm0, vm2;
	v24 =	vld [tilespmem:s18+$0x5100];
	(erf) = vrcp.f32 v21  }
0x59: {  	s19 =	sand.u32 $0x3, s13;
	vm1 =	vmand vm1, vm3;
	v7 =	vmin.f32 v22, v16;
	v6 =	vmax.f32 v15, v10;
	v25 =	vld [tilespmem:s18+$0x5080]  }
0x5a: {  	v5 =	vsub.f32 v15, v22;
	v8 =	vmin.f32 v28, v1;
	v2 =	vsub.f32 v10, v16;
	s18 =	sshll.u32 s19, $0x5  }
0x5b: {  	s14 =	sadd.s32 $0x2, s14;
	v9 =	vmax.f32 v28, v1;
	v10 =	vmin.f32 v15, v10;
	v15 =	vmax.f32 v22, v16;
	s18 =	sadd.s32 s18, s17  }
0x5c: {  	s19 =	sand.u32 $0x7, s14;
	v22 =	vsub.f32 v6, v7;
	v7 =	vsel vm1, $0x3F800000, v0;
	v6 =	vsel vm0, $0x3F800000, v0;
	s18 =	sor.u32 $0x180, s18  }
0x5d: {  	v29 =	vsub.f32 v10, v15;
	s19 =	sshll.u32 s19, $0x4;
	v27 =	vmin.f32 v14, v23;
	v26 =	vld [tilespmem:s18+$0x1000];
	v16 =	vmax.f32 v19, v24  }
0x5e: {  	v15 =	vsub.f32 v11, v18;
	s19 =	sadd.s32 s17, s19;
	v10 =	vsub.f32 v19, v14;
	v30 =	vld [tilespmem:s18+$0x5000];
	v31 =	vmin.f32 v20, v25;
	v18 =	vpop (erf)  }
0x5f: {  	v14 =	vmax.f32 v14, v23;
	v11 =	vsub.f32 v24, v23;
	v19 =	vmin.f32 v19, v24;
	s18 =	sadd.s32 $0x10, s19;
	v23 =	vpop (erf)  }
0x60: {  	s15 =	sadd.s32 $0x2, s15;
	v12 =	vsub.f32 v12, v21;
	s18 =	sor.u32 $0x180, s18;
	v18 =	vmul.f32 v15, v18;
	v17 =	vmul.f32 v23, v17;
	v21 =	vpop (erf)  }
0x61: {  	p0 =	slt.u32 s15, $0xFE;
	v14 =	vsub.f32 v19, v14;
	v19 =	vmax.f32 v20, v25;
	v15 =	vsub.f32 v16, v27;
	v16 =	vld [tilespmem:s18+$0x1000];
	v23 =	vpop (erf)  }
.Ltmp0:
0x62: {  	v12 =	vmul.f32 v12, v21;
	v24 =	vld [tilespmem:s18+$0x5000];
	v27 =	vsub.f32 v18, v17;
	v13 =	vmul.f32 v23, v13;
	(pc) =	sbr.rel @p0 .LBB2_2-.Ltmp0, $4  }
0x63: {  	v17 =	vsub.f32 v26, v20;
	v18 =	vsub.f32 v30, v25;
	v20 =	vmax.f32 v26, v30  }
0x64: {  	v25 =	vmin.f32 v26, v30;
	v23 =	vadd.f32 $1.000000000e+00, v27;
	v26 =	vsub.f32 v12, v13  }
0x65: {  	v20 =	vsub.f32 v20, v31;
	v13 =	vmax.f32 v29, $0.0e+00;
	v12 =	vmax.f32 v22, $0.0e+00  }
0x66: {  	s16 =	sadd.s32 $0x20, s16;
	s18 =	sshra.s32 s17, $0x2;
	s17 =	sadd.s32 $0x80, s17;
	v21 =	vsub.f32 v16, v28;
	v23 =	vnsel vm1, $0x0, v23;
	v22 =	vadd.f32 $1.000000000e+00, v26  }
0x67: {  	v26 =	vmax.f32 v16, v24  }
0x68: {  	v19 =	vsub.f32 v25, v19;
	v1 =	vsub.f32 v24, v1;
	v51 =	vmin.f32 v16, v24  }
0x69: {  	v14 =	vmax.f32 v14, $0.0e+00;
	v15 =	vmax.f32 v15, $0.0e+00;
	v10 =	vmul.f32 v17, v10  }
0x6a: {  	v11 =	vmul.f32 v18, v11;
	v53 =	vmax.f32 v20, $0.0e+00;
	v8 =	vsub.f32 v26, v8  }
0x6b: {  	v9 =	vsub.f32 v51, v9;
	v5 =	vmul.f32 v21, v5;
	v52 =	vmax.f32 v19, $0.0e+00  }
0x6c: {  	v10 =	vadd.f32 v11, v10;
	v1 =	vmul.f32 v1, v2;
	v14 =	vmul.f32 v52, v14  }
0x6d: {  	v2 =	vmul.f32 v53, v15;
	v9 =	vmax.f32 v9, $0.0e+00;
	v8 =	vmax.f32 v8, $0.0e+00  }
0x6e: {  	v9 =	vmul.f32 v9, v13;
	v1 =	vadd.f32 v1, v5;
	v10 =	vsub.f32 v10, v14  }
0x6f: {  	v54 =	vmul.f32 v8, v12;
	(erf) = vrcp.f32 v2  }
0x70: {  	v1 =	vsub.f32 v1, v9;
	(erf) = vrcp.f32 v10  }
0x71: {  	(erf) = vrcp.f32 v54  }
0x72: {  	(erf) = vrcp.f32 v1;
	_ =	sdelay $0x5  }
0x73: {  	v55 =	vld [tilespmem:s18+$0x0];
	v2 =	vsub.f32 v2, v10;
	v56 =	vpop (erf)  }
0x74: {  	v57 =	vpop (erf)  }
0x75: {  	v58 =	vld [tilespmem:s18+$0x10];
	v1 =	vsub.f32 v54, v1;
	v2 =	vmul.f32 v2, v56;
	v11 =	vmul.f32 v57, v14;
	v59 =	vpop (erf)  }
0x76: {  	v4 =	vadd.f32 v23, v4;
	v60 =	vnsel vm0, $0x0, v22;
	v61 =	vpop (erf)  }
0x77: {  	v1 =	vmul.f32 v1, v59;
	v2 =	vsub.f32 v2, v11;
	v9 =	vmul.f32 v61, v9  }
0x78: {  	v3 =	vadd.f32 v7, v3;
	v4 =	vadd.f32 v60, v4;
	vm14 =	vgt.s32 v55, $0xFFFFFFFF  }
0x79: {  	vm1 =	vne.s32 v55, $0x50;
	v2 =	vadd.f32 $1.000000000e+00, v2;
	v1 =	vsub.f32 v1, v9  }
0x7a: {  	[tilespmem:$0x9100] =	vst v0;
	v3 =	vadd.f32 v6, v3;
	vm2 =	vgt.s32 v58, $0xFFFFFFFF;
	vm0 =	vmand vm14, vm1  }
0x7b: {  	[tilespmem:$0x9180] =	vst v0;
	vm15 =	vne.s32 v58, $0x50;
	v2 =	vnsel vm0, $0x0, v2;
	v1 =	vadd.f32 $1.000000000e+00, v1  }
0x7c: {  	[tilespmem:$0x9200] =	vst v0;
	vm1 =	vmand vm2, vm15;
	v62 =	vsel vm0, $0x3F800000, v0;
	v2 =	vadd.f32 v2, v4  }
0x7d: {  	[tilespmem:$0x9280] =	vst v0;
	v3 =	vadd.f32 v62, v3;
	v1 =	vnsel vm1, $0x0, v1  }
0x7e: {  	[tilespmem:$0x9300] =	vst v0;
	v63 =	vsel vm1, $0x3F800000, v0;
	v1 =	vadd.f32 v1, v2  }
0x7f: {  	[tilespmem:$0x9380] =	vst v0;
	s12 =	sadd.s32 $0x1, s12;
	v2 =	vadd.f32 v63, v3  }
0x80: {  	p0 =	sne.s32 s12, s7;
	[tilespmem:$0x9000] =	vst v1  }
.Ltmp1:
0x81: {  	[tilespmem:$0x9080] =	vst v2;
	(pc) =	sbr.rel @p0 .LBB2_1-.Ltmp1, $4  }
0x82: {  	[hbm4b:s6+s2] =	stream.linear.scatter [tilespmem:s11], [sflag:$0x1], $0x400, $0x38;
	[tilespmem:$0x9400] =	vst v63  }
0x83: {  	_ =	swait.ge [sflag:s8], $0x400  }
0x84: {  	[sflag:s8] =	ssyncset.done $0x0  }
0x85: {  	[sflag:s8] =	ssyncadd.s32 $0xFFFFFC00  }
0x86: {  	_ =	sfence.sel $0x180000  }
0x87: {  	[bflag:$0x0] =	sbarrier.arrive $0xFFFF  }
0x88: {  	p0 =	sne.s32 s1, $0x0;
	_ =	strace $0x90000047  }
0x89: {  	s0 =	sadd.s32 @!p0 $0x100000, s0;
	[bflag:$0x2] =	sbarrier.arrive $0xFFFF  }
0x8a: {  	[sflag:s0] =	ssyncadd.tile.s32 @!p0 $0x1;
	_ =	shalt  }
.Lfunc_end2:
_tile_overlayer_lowered:
.L_overlay_start_2:
0x8b: {  	(tag) =	ssettag $0x2  }
0x8c: {  	s0 =	rddreg [dreg:$0x0];
	s2 =	stileid.u32  }
0x8d: {  	s1 =	rddreg [dreg:$0x1];
	p0 =	sne.s32 s2, $0x0  }
0x8e: {  	s3 =	rddreg [dreg:$0x2];
	[bflag:$0x3] =	sbarrier.arrive $0xFFFF;
	s2 =	simm.s32 @!p0 $0x1C01  }
0x8f: {  	[timem:s3], [sflag:s2] =	dma.local @!p0 [hbm:s0], s1  }
0x90: {  	s0 =	simm.s32 @!p0 $0x1  }
0x91: {  	_ =	swait.ge @!p0 [sflag:s0], s1  }
0x92: {  	s1 =	ssub.s32 @!p0 $0x0, s1;
	[sflag:s0] =	ssyncset.done @!p0 $0x0  }
0x93: {  	[sflag:s0] =	ssyncadd.s32 @!p0 s1  }
0x94: {  	[bflag:$0x3] =	sbarrier.arrive $0xFFFF  }
0x95: {  	_ =	shalt  }

</sc_bundles>
